<compile_context>
chip_gen: v7x
topology: tpu7x:2x2x1
jax: 0.10.2.dev20260603
libtpu: 0.0.44.dev20260713+nightly
codegen_flags: <defaults>
</compile_context>

<pallas_src>
import functools

import jax
import jax.numpy as jnp
from jax import lax
from jax.experimental import pallas as pl
from jax.experimental.pallas import tpu as pltpu
from jax.experimental.pallas import tpu_sc as plsc

B = 4096
NC_FEAT = 13
F = 26
V = 100000
D = 64
H1, H2, H3 = 512, 256, 128

FPC = F // 2
NSLAB = FPC * 8
L0 = 49920
L1 = 50048
Q = 24960
Q1 = 25088
NVREG = B // 16


def _gather_pass(idx_v, row_v, out_v, lo, hi, mx, one_sided_lo, first):
    zero = jnp.zeros((16,), jnp.float32)

    def body(i, _):
        iv = idx_v[pl.ds(i * 16, 16)]
        if one_sided_lo:
            m = iv >= lo
        elif lo == 0:
            m = iv < hi
        else:
            m = (iv >= lo) & (iv < hi)
        ic = jnp.clip(iv - lo, 0, mx)
        g = plsc.load_gather(row_v, [ic])
        prev = zero if first else out_v[pl.ds(i * 16, 16)]
        out_v[pl.ds(i * 16, 16)] = jnp.where(m, g, prev)
        return 0

    lax.fori_loop(0, NVREG, body, 0)


def _emb_body(tab_hbm, tail_hbm, idx_hbm, out_hbm,
              idx_v, row_v, out_v,
              stage0, stage1, tslab0, tslab1, ostage0, ostage1,
              sem_a, sem_b, sem_ta, sem_tb):
    c = lax.axis_index("c")
    tid = lax.axis_index("s")
    dd = tid & 7
    q = tid >> 3
    stages = (stage0, stage1)
    ssems = (sem_a, sem_b)
    tslabs = (tslab0, tslab1)
    tsems = (sem_ta, sem_tb)
    ostages = (ostage0, ostage1)

    def row0(s):
        return pl.multiple_of((c * FPC + (s >> 3)) * D + (s & 7) * 8, 8)

    def slab_src(s, h):
        if h == 0:
            return tab_hbm.at[pl.ds(row0(s), 8), pl.ds(0, L0)]
        return tab_hbm.at[pl.ds(row0(s), 8), pl.ds(L0, L1)]

    def tail_src(s):
        return tail_hbm.at[pl.ds(row0(s), 8), :]

    @pl.when(tid == 0)
    def _():
        pltpu.async_copy(slab_src(0, 0), stage0, sem_a)
        pltpu.async_copy(tail_src(0), tslab0, sem_ta)

    def step(s, h, par):
        @pl.when(tid == 0)
        def _():
            pltpu.make_async_copy(slab_src(s, h), stages[h], ssems[h]).wait()
            if h == 1:
                pltpu.make_async_copy(tail_src(s), tslabs[par],
                                      tsems[par]).wait()

        plsc.subcore_barrier()

        @pl.when(tid == 0)
        def _():
            if h == 0:
                pltpu.async_copy(slab_src(s, 1), stages[1], ssems[1])

                @pl.when(s > 0)
                def _():
                    pltpu.sync_copy(ostages[par ^ 1],
                                    out_hbm.at[c * NSLAB + s - 1])
            else:
                @pl.when(s + 1 < NSLAB)
                def _():
                    pltpu.async_copy(slab_src(s + 1, 0), stages[0], ssems[0])
                    pltpu.async_copy(tail_src(s + 1), tslabs[par ^ 1],
                                     tsems[par ^ 1])

        if h == 0:
            @pl.when((s & 7) == 0)
            def _():
                off = pl.multiple_of((c * FPC + (s >> 3)) * B, 8)
                pltpu.sync_copy(idx_hbm.at[pl.ds(off, B)], idx_v)

            @pl.when(q == 0)
            def _():
                pltpu.sync_copy(stage0.at[dd, pl.ds(0, Q)],
                                row_v.at[pl.ds(0, Q)])
                _gather_pass(idx_v, row_v, out_v, 0, Q, Q - 1, False, True)

            @pl.when(q == 1)
            def _():
                pltpu.sync_copy(stage0.at[dd, pl.ds(Q, Q)],
                                row_v.at[pl.ds(0, Q)])
                _gather_pass(idx_v, row_v, out_v, Q, L0, Q - 1, False, True)
        else:
            @pl.when(q == 0)
            def _():
                pltpu.sync_copy(stage1.at[dd, pl.ds(0, Q)],
                                row_v.at[pl.ds(0, Q)])
                _gather_pass(idx_v, row_v, out_v, L0, L0 + Q, Q - 1,
                             False, False)

            @pl.when(q == 1)
            def _():
                pltpu.sync_copy(stage1.at[dd, pl.ds(Q, Q1)],
                                row_v.at[pl.ds(0, Q1)])
                pltpu.sync_copy(tslabs[par].at[dd],
                                row_v.at[pl.ds(Q1, 128)])
                _gather_pass(idx_v, row_v, out_v, L0 + Q, V, Q1 + 127,
                             True, False)

            pltpu.sync_copy(out_v, ostages[par].at[dd * 2 + q])

    def outer(p, _):
        step(2 * p, 0, 0)
        step(2 * p, 1, 0)
        step(2 * p + 1, 0, 1)
        step(2 * p + 1, 1, 1)
        return 0

    lax.fori_loop(0, NSLAB // 2, outer, 0)
    plsc.subcore_barrier()

    @pl.when(tid == 0)
    def _():
        pltpu.sync_copy(ostage1, out_hbm.at[c * NSLAB + NSLAB - 1])


def _sc_embed_t(tab2d, tail128, idx_flat):
    mesh = plsc.VectorSubcoreMesh(core_axis_name="c", subcore_axis_name="s")
    k = functools.partial(
        pl.kernel,
        mesh=mesh,
        out_type=jax.ShapeDtypeStruct((2 * NSLAB, 16, B), jnp.float32),
        scratch_types=[
            pltpu.VMEM((B,), jnp.int32),
            pltpu.VMEM((Q1 + 128,), jnp.float32),
            pltpu.VMEM((B,), jnp.float32),
            pltpu.VMEM_SHARED((8, L0), jnp.float32),
            pltpu.VMEM_SHARED((8, L1), jnp.float32),
            pltpu.VMEM_SHARED((8, 128), jnp.float32),
            pltpu.VMEM_SHARED((8, 128), jnp.float32),
            pltpu.VMEM_SHARED((16, B), jnp.float32),
            pltpu.VMEM_SHARED((16, B), jnp.float32),
            pltpu.SemaphoreType.DMA,
            pltpu.SemaphoreType.DMA,
            pltpu.SemaphoreType.DMA,
            pltpu.SemaphoreType.DMA,
        ],
        compiler_params=pltpu.CompilerParams(needs_layout_passes=False),
    )(_emb_body)
    return k(tab2d, tail128, idx_flat)


def _mlp_body(cont_ref, emb_ref, wc_ref, bc_ref, w1a_ref, w1b_ref, b1_ref,
              w2_ref, b2_ref, w3_ref, b3_ref, wo_ref, bo_ref, out_ref):
    f32 = jnp.float32
    dot = lambda a, b: jnp.dot(a, b, preferred_element_type=f32)
    xt = dot(wc_ref[...], cont_ref[...]) + bc_ref[...]
    h = dot(w1a_ref[...], xt) + dot(w1b_ref[...], emb_ref[...]) + b1_ref[...]
    h = jnp.maximum(h, 0.0)
    h = jnp.maximum(dot(w2_ref[...], h) + b2_ref[...], 0.0)
    h = jnp.maximum(dot(w3_ref[...], h) + b3_ref[...], 0.0)
    logit = dot(wo_ref[...], h) + bo_ref[...]
    out_ref[...] = jax.nn.sigmoid(logit)


def _tc_mlp_t(cont_t, emb_t, WcT, bcC, W1aT, W1bT, b1C, W2T, b2C, W3T, b3C,
              WoT, boC):
    BB = 512
    grid = (B // BB,)
    full = lambda a: pl.BlockSpec(a.shape, lambda i: (0,) * a.ndim)
    return pl.pallas_call(
        _mlp_body,
        grid=grid,
        in_specs=[
            pl.BlockSpec((NC_FEAT, BB), lambda i: (0, i)),
            pl.BlockSpec((2 * F * D, BB), lambda i: (0, i)),
            full(WcT), full(bcC), full(W1aT), full(W1bT), full(b1C),
            full(W2T), full(b2C), full(W3T), full(b3C), full(WoT), full(boC),
        ],
        out_specs=pl.BlockSpec((1, BB), lambda i: (0, i)),
        out_shape=jax.ShapeDtypeStruct((1, B), jnp.float32),
    )(cont_t, emb_t, WcT, bcC, W1aT, W1bT, b1C, W2T, b2C, W3T, b3C, WoT, boC)


def kernel(continuous_features, categorical_features, W_cont, b_cont, tables,
           W1, b1, W2, b2, W3, b3, Wo, bo):
    tab2d = tables.transpose(0, 2, 1).reshape(F * D, V)
    tail128 = jnp.pad(lax.slice(tab2d, (0, 99968), (F * D, V)),
                      ((0, 0), (0, 96)))
    idx_flat = categorical_features.astype(jnp.int32).T.reshape(F * B)
    emb3 = _sc_embed_t(tab2d, tail128, idx_flat)
    emb2 = emb3.reshape(2 * F * D, B)

    W1T = W1.T
    W1bT2 = jnp.repeat(W1T[:, D:], 2, axis=1)
    out_t = _tc_mlp_t(
        continuous_features.T, emb2,
        W_cont.T, b_cont.reshape(D, 1),
        W1T[:, :D], W1bT2, b1.reshape(H1, 1),
        W2.T, b2.reshape(H2, 1),
        W3.T, b3.reshape(H3, 1),
        Wo.T, bo.reshape(1, 1),
    )
    return out_t.reshape(B, 1)

# --- scband reference (transcript-rebuilt; emitter-appended) ---
"""Pipeline reference for scband-dlrmmodel-47356309405934 (READ-ONLY COPY).

The authoritative reference and input builder live on the scoring server;
editing this copy changes nothing except your own understanding.
"""

import jax, jax.numpy as jnp
import numpy as np

B = 4096
NC = 13
F = 26
V = 100000
D = 64
H1, H2, H3 = 512, 256, 128

def setup_inputs(seed: int = 0) -> dict:
    key = jax.random.key(seed)
    ks = jax.random.split(key, 12)
    inp = {}
    inp["continuous_features"] = jax.random.normal(ks[0], (B, NC), dtype=jnp.float32)
    inp["categorical_features"] = jax.random.randint(ks[1], (B, F), 0, V)
    inp["W_cont"] = jax.random.normal(ks[2], (NC, D), dtype=jnp.float32) * 0.1
    inp["b_cont"] = jnp.zeros((D,), dtype=jnp.float32)
    inp["tables"] = jax.random.normal(ks[3], (F, V, D), dtype=jnp.float32) * 0.02
    mlp_in = D + F * D
    inp["W1"] = jax.random.normal(ks[4], (mlp_in, H1), dtype=jnp.float32) * 0.02
    inp["b1"] = jnp.zeros((H1,), dtype=jnp.float32)
    inp["W2"] = jax.random.normal(ks[5], (H1, H2), dtype=jnp.float32) * 0.05
    inp["b2"] = jnp.zeros((H2,), dtype=jnp.float32)
    inp["W3"] = jax.random.normal(ks[6], (H2, H3), dtype=jnp.float32) * 0.05
    inp["b3"] = jnp.zeros((H3,), dtype=jnp.float32)
    inp["Wo"] = jax.random.normal(ks[7], (H3, 1), dtype=jnp.float32) * 0.05
    inp["bo"] = jnp.zeros((1,), dtype=jnp.float32)
    return inp

def reference(continuous_features, categorical_features, W_cont, b_cont, tables, W1, b1, W2, b2, W3, b3, Wo, bo):
    # continuous branch: Linear(13 -> 64)
    x = continuous_features @ W_cont + b_cont
    # embedding lookups: tables[i][categorical_features[:, i]] for each of F fields
    emb = jax.vmap(lambda t, idx: jnp.take(t, idx, axis=0), in_axes=(0, 1), out_axes=1)(tables, categorical_features)
    b = emb.shape[0]
    x = jnp.concatenate([x, emb.reshape(b, -1)], axis=1)
    # MLP: Linear+ReLU stack
    x = jax.nn.relu(x @ W1 + b1)
    x = jax.nn.relu(x @ W2 + b2)
    x = jax.nn.relu(x @ W3 + b3)
    # output layer + sigmoid
    return jax.nn.sigmoid(x @ Wo + bo)

if __name__ == "__main__":
    import jax
    _d = setup_inputs()
    print(jax.jit(kernel)(*tuple(_d.values())))

</pallas_src>

<mosaic_0001>
#map = affine_map<(d0, d1) -> (0, 0)>
#map1 = affine_map<(d0, d1) -> (0)>
#map2 = affine_map<(d0, d1) -> (0, 0, 0)>
module attributes {stable_mosaic.version = 14 : i64} {
  func.func @_emb_body(%arg0: i32, %arg1: i32, %arg2: memref<1664x100000xf32, #tpu.memory_space<hbm>>, %arg3: memref<1664x128xf32, #tpu.memory_space<hbm>>, %arg4: memref<106496xi32, #tpu.memory_space<hbm>>, %arg5: memref<208x16x4096xf32, #tpu.memory_space<hbm>>, %arg6: memref<4096xi32, #tpu.memory_space<vmem>>, %arg7: memref<25216xf32, #tpu.memory_space<vmem>>, %arg8: memref<4096xf32, #tpu.memory_space<vmem>>, %arg9: memref<8x49920xf32, #tpu.memory_space<vmem_shared>>, %arg10: memref<8x50048xf32, #tpu.memory_space<vmem_shared>>, %arg11: memref<8x128xf32, #tpu.memory_space<vmem_shared>>, %arg12: memref<8x128xf32, #tpu.memory_space<vmem_shared>>, %arg13: memref<16x4096xf32, #tpu.memory_space<vmem_shared>>, %arg14: memref<16x4096xf32, #tpu.memory_space<vmem_shared>>, %arg15: memref<!tpu.dma_semaphore, #tpu.memory_space<semaphore_mem>>, %arg16: memref<!tpu.dma_semaphore, #tpu.memory_space<semaphore_mem>>, %arg17: memref<!tpu.dma_semaphore, #tpu.memory_space<semaphore_mem>>, %arg18: memref<!tpu.dma_semaphore, #tpu.memory_space<semaphore_mem>>) attributes {dimension_semantics = [#tpu.dimension_semantics<core_parallel>, #tpu.dimension_semantics<subcore_parallel>], iteration_bounds = array<i64: 2, 16>, scalar_prefetch = 0 : i64, scratch_operands = 13 : i64, tpu.core_type = #tpu.core_type<sc_vector_subcore>, window_params = [{transform_indices = #map}, {transform_indices = #map}, {transform_indices = #map1}, {transform_indices = #map2}]} {
    %and3A = arith.constant 7 : i32
    %and3A_0 = arith.andi %arg1, %and3A : i32
    %shift_right_arithmetic3A = arith.constant 3 : i32
    %shift_right_arithmetic3A_1 = arith.shrsi %arg1, %shift_right_arithmetic3A : i32
    %eq3A = arith.constant 0 : i32
    %eq3A_2 = arith.cmpi eq, %arg1, %eq3A : i32
    %convert_element_type3A = arith.extui %eq3A_2 : i1 to i32
    %cond3A = arith.constant 0 : i32
    %cond3A_3 = arith.cmpi ne, %convert_element_type3A, %cond3A : i32
    scf.if %cond3A_3 {
      %mul3A = arith.constant 13 : i32
      %mul3A_15 = arith.muli %arg0, %mul3A : i32
      %add3A = arith.constant 0 : i32
      %add3A_16 = arith.addi %mul3A_15, %add3A : i32
      %mul3A_17 = arith.constant 64 : i32
      %mul3A_18 = arith.muli %add3A_16, %mul3A_17 : i32
      %add3A_19 = arith.constant 0 : i32
      %add3A_20 = arith.addi %mul3A_18, %add3A_19 : i32
      %multiple_of3A = tpu.assume_multiple %add3A_20, 8 : i32
      %dma_start3A = arith.constant 0 : i32
      %dma_start3A_21 = tpu.memref_slice %arg2[%multiple_of3A, %dma_start3A] : memref<1664x100000xf32, #tpu.memory_space<hbm>> -> memref<8x49920xf32, #tpu.memory_space<hbm>>
      tpu.enqueue_dma source(%dma_start3A_21 : memref<8x49920xf32, #tpu.memory_space<hbm>>) target(%arg9 : memref<8x49920xf32, #tpu.memory_space<vmem_shared>>) target_semaphore(%arg15 : memref<!tpu.dma_semaphore, #tpu.memory_space<semaphore_mem>>)
      %mul3A_22 = arith.constant 13 : i32
      %mul3A_23 = arith.muli %arg0, %mul3A_22 : i32
      %add3A_24 = arith.constant 0 : i32
      %add3A_25 = arith.addi %mul3A_23, %add3A_24 : i32
      %mul3A_26 = arith.constant 64 : i32
      %mul3A_27 = arith.muli %add3A_25, %mul3A_26 : i32
      %add3A_28 = arith.constant 0 : i32
      %add3A_29 = arith.addi %mul3A_27, %add3A_28 : i32
      %multiple_of3A_30 = tpu.assume_multiple %add3A_29, 8 : i32
      %dma_start3A_31 = arith.constant 0 : i32
      %dma_start3A_32 = tpu.memref_slice %arg3[%multiple_of3A_30, %dma_start3A_31] : memref<1664x128xf32, #tpu.memory_space<hbm>> -> memref<8x128xf32, #tpu.memory_space<hbm>>
      tpu.enqueue_dma source(%dma_start3A_32 : memref<8x128xf32, #tpu.memory_space<hbm>>) target(%arg11 : memref<8x128xf32, #tpu.memory_space<vmem_shared>>) target_semaphore(%arg17 : memref<!tpu.dma_semaphore, #tpu.memory_space<semaphore_mem>>)
    } else {
    }
    %scan3A = arith.constant 0 : i32
    %scan3A_4 = arith.constant 0 : i32
    %scan3A_5 = arith.constant 52 : i32
    %scan3A_6 = arith.addi %scan3A_4, %scan3A_5 : i32
    %scan3A_7 = arith.constant 1 : i32
    %scan3A_8 = scf.for %scan3A_15 = %scan3A_4 to %scan3A_6 step %scan3A_7 iter_args(%scan3A_16 = %scan3A) -> (i32)  : i32 {
      %mul3A = arith.constant 2 : i32
      %mul3A_17 = arith.muli %mul3A, %scan3A_15 : i32
      %eq3A_18 = arith.constant 0 : i32
      %eq3A_19 = arith.cmpi eq, %arg1, %eq3A_18 : i32
      %convert_element_type3A_20 = arith.extui %eq3A_19 : i1 to i32
      %cond3A_21 = arith.constant 0 : i32
      %cond3A_22 = arith.cmpi ne, %convert_element_type3A_20, %cond3A_21 : i32
      scf.if %cond3A_22 {
        %mul3A_132 = arith.constant 13 : i32
        %mul3A_133 = arith.muli %arg0, %mul3A_132 : i32
        %shift_right_arithmetic3A_134 = arith.constant 3 : i32
        %shift_right_arithmetic3A_135 = arith.shrsi %mul3A_17, %shift_right_arithmetic3A_134 : i32
        %add3A_136 = arith.addi %mul3A_133, %shift_right_arithmetic3A_135 : i32
        %mul3A_137 = arith.constant 64 : i32
        %mul3A_138 = arith.muli %add3A_136, %mul3A_137 : i32
        %and3A_139 = arith.constant 7 : i32
        %and3A_140 = arith.andi %mul3A_17, %and3A_139 : i32
        %mul3A_141 = arith.constant 8 : i32
        %mul3A_142 = arith.muli %and3A_140, %mul3A_141 : i32
        %add3A_143 = arith.addi %mul3A_138, %mul3A_142 : i32
        %multiple_of3A = tpu.assume_multiple %add3A_143, 8 : i32
        %dma_wait3A = arith.constant 0 : i32
        %dma_wait3A_144 = tpu.memref_slice %arg2[%multiple_of3A, %dma_wait3A] : memref<1664x100000xf32, #tpu.memory_space<hbm>> -> memref<8x49920xf32, #tpu.memory_space<hbm>>
        tpu.wait_dma2 semaphore(%arg15 : memref<!tpu.dma_semaphore, #tpu.memory_space<semaphore_mem>>) src(%dma_wait3A_144 : memref<8x49920xf32, #tpu.memory_space<hbm>>) dst(%arg9 : memref<8x49920xf32, #tpu.memory_space<vmem_shared>>)
      } else {
      }
      %barrier3A_23 = arith.constant 0 : index
      tpu.barrier barrier_id(%barrier3A_23)
      %eq3A_24 = arith.constant 0 : i32
      %eq3A_25 = arith.cmpi eq, %arg1, %eq3A_24 : i32
      %convert_element_type3A_26 = arith.extui %eq3A_25 : i1 to i32
      %cond3A_27 = arith.constant 0 : i32
      %cond3A_28 = arith.cmpi ne, %convert_element_type3A_26, %cond3A_27 : i32
      scf.if %cond3A_28 {
        %mul3A_132 = arith.constant 13 : i32
        %mul3A_133 = arith.muli %arg0, %mul3A_132 : i32
        %shift_right_arithmetic3A_134 = arith.constant 3 : i32
        %shift_right_arithmetic3A_135 = arith.shrsi %mul3A_17, %shift_right_arithmetic3A_134 : i32
        %add3A_136 = arith.addi %mul3A_133, %shift_right_arithmetic3A_135 : i32
        %mul3A_137 = arith.constant 64 : i32
        %mul3A_138 = arith.muli %add3A_136, %mul3A_137 : i32
        %and3A_139 = arith.constant 7 : i32
        %and3A_140 = arith.andi %mul3A_17, %and3A_139 : i32
        %mul3A_141 = arith.constant 8 : i32
        %mul3A_142 = arith.muli %and3A_140, %mul3A_141 : i32
        %add3A_143 = arith.addi %mul3A_138, %mul3A_142 : i32
        %multiple_of3A = tpu.assume_multiple %add3A_143, 8 : i32
        %dma_start3A = arith.constant 49920 : i32
        %dma_start3A_144 = tpu.memref_slice %arg2[%multiple_of3A, %dma_start3A] : memref<1664x100000xf32, #tpu.memory_space<hbm>> -> memref<8x50048xf32, #tpu.memory_space<hbm>>
        tpu.enqueue_dma source(%dma_start3A_144 : memref<8x50048xf32, #tpu.memory_space<hbm>>) target(%arg10 : memref<8x50048xf32, #tpu.memory_space<vmem_shared>>) target_semaphore(%arg16 : memref<!tpu.dma_semaphore, #tpu.memory_space<semaphore_mem>>)
        %gt3A = arith.constant 0 : i32
        %gt3A_145 = arith.cmpi sgt, %mul3A_17, %gt3A : i32
        %convert_element_type3A_146 = arith.extui %gt3A_145 : i1 to i32
        %cond3A_147 = arith.constant 0 : i32
        %cond3A_148 = arith.cmpi ne, %convert_element_type3A_146, %cond3A_147 : i32
        scf.if %cond3A_148 {
          %mul3A_149 = arith.constant 104 : i32
          %mul3A_150 = arith.muli %arg0, %mul3A_149 : i32
          %add3A_151 = arith.addi %mul3A_150, %mul3A_17 : i32
          %sub3A = arith.constant 1 : i32
          %sub3A_152 = arith.subi %add3A_151, %sub3A : i32
          "tpu.region"() ({
            %run_scoped3A = tpu.sem_alloc : memref<!tpu.dma_semaphore, #tpu.memory_space<semaphore_mem>>
            %dma_start3A_153 = arith.constant 0 : i32
            %dma_start3A_154 = arith.constant 0 : i32
            %dma_start3A_155 = tpu.memref_slice %arg5[%sub3A_152, %dma_start3A_153, %dma_start3A_154] : memref<208x16x4096xf32, #tpu.memory_space<hbm>> -> memref<1x16x4096xf32, #tpu.memory_space<hbm>>
            %dma_start3A_156 = tpu.memref_squeeze %dma_start3A_155 : memref<1x16x4096xf32, #tpu.memory_space<hbm>> -> memref<16x4096xf32, #tpu.memory_space<hbm>>
            tpu.enqueue_dma source(%arg14 : memref<16x4096xf32, #tpu.memory_space<vmem_shared>>) target(%dma_start3A_156 : memref<16x4096xf32, #tpu.memory_space<hbm>>) target_semaphore(%run_scoped3A : memref<!tpu.dma_semaphore, #tpu.memory_space<semaphore_mem>>)
            %dma_wait3A = arith.constant 0 : i32
            %dma_wait3A_157 = arith.constant 0 : i32
            %dma_wait3A_158 = tpu.memref_slice %arg5[%sub3A_152, %dma_wait3A, %dma_wait3A_157] : memref<208x16x4096xf32, #tpu.memory_space<hbm>> -> memref<1x16x4096xf32, #tpu.memory_space<hbm>>
            %dma_wait3A_159 = tpu.memref_squeeze %dma_wait3A_158 : memref<1x16x4096xf32, #tpu.memory_space<hbm>> -> memref<16x4096xf32, #tpu.memory_space<hbm>>
            tpu.wait_dma2 semaphore(%run_scoped3A : memref<!tpu.dma_semaphore, #tpu.memory_space<semaphore_mem>>) src(%arg14 : memref<16x4096xf32, #tpu.memory_space<vmem_shared>>) dst(%dma_wait3A_159 : memref<16x4096xf32, #tpu.memory_space<hbm>>)
            tpu.yield
          }) : () -> ()
        } else {
        }
      } else {
      }
      %and3A_29 = arith.constant 7 : i32
      %and3A_30 = arith.andi %mul3A_17, %and3A_29 : i32
      %eq3A_31 = arith.constant 0 : i32
      %eq3A_32 = arith.cmpi eq, %and3A_30, %eq3A_31 : i32
      %convert_element_type3A_33 = arith.extui %eq3A_32 : i1 to i32
      %cond3A_34 = arith.constant 0 : i32
      %cond3A_35 = arith.cmpi ne, %convert_element_type3A_33, %cond3A_34 : i32
      scf.if %cond3A_35 {
        %mul3A_132 = arith.constant 13 : i32
        %mul3A_133 = arith.muli %arg0, %mul3A_132 : i32
        %shift_right_arithmetic3A_134 = arith.constant 3 : i32
        %shift_right_arithmetic3A_135 = arith.shrsi %mul3A_17, %shift_right_arithmetic3A_134 : i32
        %add3A_136 = arith.addi %mul3A_133, %shift_right_arithmetic3A_135 : i32
        %mul3A_137 = arith.constant 4096 : i32
        %mul3A_138 = arith.muli %add3A_136, %mul3A_137 : i32
        %multiple_of3A = tpu.assume_multiple %mul3A_138, 8 : i32
        "tpu.region"() ({
          %run_scoped3A = tpu.sem_alloc : memref<!tpu.dma_semaphore, #tpu.memory_space<semaphore_mem>>
          %dma_start3A = tpu.memref_slice %arg4[%multiple_of3A] : memref<106496xi32, #tpu.memory_space<hbm>> -> memref<4096xi32, #tpu.memory_space<hbm>>
          %dma_start3A_139 = tpu.memref_slice %arg4[%multiple_of3A] : memref<106496xi32, #tpu.memory_space<hbm>> -> memref<4096xi32, #tpu.memory_space<hbm>>
          tpu.enqueue_dma source(%dma_start3A_139 : memref<4096xi32, #tpu.memory_space<hbm>>) target(%arg6 : memref<4096xi32, #tpu.memory_space<vmem>>) target_semaphore(%run_scoped3A : memref<!tpu.dma_semaphore, #tpu.memory_space<semaphore_mem>>)
          %dma_wait3A = tpu.memref_slice %arg4[%multiple_of3A] : memref<106496xi32, #tpu.memory_space<hbm>> -> memref<4096xi32, #tpu.memory_space<hbm>>
          %dma_wait3A_140 = tpu.memref_slice %arg4[%multiple_of3A] : memref<106496xi32, #tpu.memory_space<hbm>> -> memref<4096xi32, #tpu.memory_space<hbm>>
          tpu.wait_dma2 semaphore(%run_scoped3A : memref<!tpu.dma_semaphore, #tpu.memory_space<semaphore_mem>>) src(%dma_wait3A_140 : memref<4096xi32, #tpu.memory_space<hbm>>) dst(%arg6 : memref<4096xi32, #tpu.memory_space<vmem>>)
          tpu.yield
        }) : () -> ()
      } else {
      }
      %eq3A_36 = arith.constant 0 : i32
      %eq3A_37 = arith.cmpi eq, %shift_right_arithmetic3A_1, %eq3A_36 : i32
      %convert_element_type3A_38 = arith.extui %eq3A_37 : i1 to i32
      %cond3A_39 = arith.constant 0 : i32
      %cond3A_40 = arith.cmpi ne, %convert_element_type3A_38, %cond3A_39 : i32
      scf.if %cond3A_40 {
        "tpu.region"() ({
          %run_scoped3A = tpu.sem_alloc : memref<!tpu.dma_semaphore, #tpu.memory_space<semaphore_mem>>
          %dma_start3A = arith.constant 0 : i32
          %dma_start3A_140 = tpu.memref_slice %arg7[%dma_start3A] : memref<25216xf32, #tpu.memory_space<vmem>> -> memref<24960xf32, #tpu.memory_space<vmem>>
          %dma_start3A_141 = arith.constant 0 : i32
          %dma_start3A_142 = tpu.memref_slice %arg9[%and3A_0, %dma_start3A_141] : memref<8x49920xf32, #tpu.memory_space<vmem_shared>> -> memref<1x24960xf32, #tpu.memory_space<vmem_shared>>
          %dma_start3A_143 = tpu.memref_squeeze %dma_start3A_142 : memref<1x24960xf32, #tpu.memory_space<vmem_shared>> -> memref<24960xf32, #tpu.memory_space<vmem_shared>>
          %dma_start3A_144 = arith.constant 0 : i32
          %dma_start3A_145 = tpu.memref_slice %arg7[%dma_start3A_144] : memref<25216xf32, #tpu.memory_space<vmem>> -> memref<24960xf32, #tpu.memory_space<vmem>>
          %dma_start3A_146 = arith.constant 0 : i32
          %dma_start3A_147 = tpu.memref_slice %arg9[%and3A_0, %dma_start3A_146] : memref<8x49920xf32, #tpu.memory_space<vmem_shared>> -> memref<1x24960xf32, #tpu.memory_space<vmem_shared>>
          %dma_start3A_148 = tpu.memref_squeeze %dma_start3A_147 : memref<1x24960xf32, #tpu.memory_space<vmem_shared>> -> memref<24960xf32, #tpu.memory_space<vmem_shared>>
          tpu.enqueue_dma source(%dma_start3A_148 : memref<24960xf32, #tpu.memory_space<vmem_shared>>) target(%dma_start3A_145 : memref<24960xf32, #tpu.memory_space<vmem>>) target_semaphore(%run_scoped3A : memref<!tpu.dma_semaphore, #tpu.memory_space<semaphore_mem>>)
          %dma_wait3A = arith.constant 0 : i32
          %dma_wait3A_149 = tpu.memref_slice %arg7[%dma_wait3A] : memref<25216xf32, #tpu.memory_space<vmem>> -> memref<24960xf32, #tpu.memory_space<vmem>>
          %dma_wait3A_150 = arith.constant 0 : i32
          %dma_wait3A_151 = tpu.memref_slice %arg9[%and3A_0, %dma_wait3A_150] : memref<8x49920xf32, #tpu.memory_space<vmem_shared>> -> memref<1x24960xf32, #tpu.memory_space<vmem_shared>>
          %dma_wait3A_152 = tpu.memref_squeeze %dma_wait3A_151 : memref<1x24960xf32, #tpu.memory_space<vmem_shared>> -> memref<24960xf32, #tpu.memory_space<vmem_shared>>
          %dma_wait3A_153 = arith.constant 0 : i32
          %dma_wait3A_154 = tpu.memref_slice %arg7[%dma_wait3A_153] : memref<25216xf32, #tpu.memory_space<vmem>> -> memref<24960xf32, #tpu.memory_space<vmem>>
          %dma_wait3A_155 = arith.constant 0 : i32
          %dma_wait3A_156 = tpu.memref_slice %arg9[%and3A_0, %dma_wait3A_155] : memref<8x49920xf32, #tpu.memory_space<vmem_shared>> -> memref<1x24960xf32, #tpu.memory_space<vmem_shared>>
          %dma_wait3A_157 = tpu.memref_squeeze %dma_wait3A_156 : memref<1x24960xf32, #tpu.memory_space<vmem_shared>> -> memref<24960xf32, #tpu.memory_space<vmem_shared>>
          tpu.wait_dma2 semaphore(%run_scoped3A : memref<!tpu.dma_semaphore, #tpu.memory_space<semaphore_mem>>) src(%dma_wait3A_157 : memref<24960xf32, #tpu.memory_space<vmem_shared>>) dst(%dma_wait3A_154 : memref<24960xf32, #tpu.memory_space<vmem>>)
          tpu.yield
        }) : () -> ()
        %broadcast_in_dim3A = arith.constant 0.000000e+00 : f32
        %broadcast_in_dim3A_132 = vector.broadcast %broadcast_in_dim3A : f32 to vector<16xf32>
        %scan3A_133 = arith.constant 0 : i32
        %scan3A_134 = arith.constant 0 : i32
        %scan3A_135 = arith.constant 256 : i32
        %scan3A_136 = arith.addi %scan3A_134, %scan3A_135 : i32
        %scan3A_137 = arith.constant 1 : i32
        %scan3A_138 = scf.for %scan3A_140 = %scan3A_134 to %scan3A_136 step %scan3A_137 iter_args(%scan3A_141 = %scan3A_133) -> (i32)  : i32 {
          %mul3A_142 = arith.constant 16 : i32
          %mul3A_143 = arith.muli %scan3A_140, %mul3A_142 : i32
          %get3A = arith.index_cast %mul3A_143 : i32 to index
          %get3A_144 = tpu.vector_load %arg6[%get3A] {strides = array<i32>} : memref<4096xi32, #tpu.memory_space<vmem>>, vector<16xi32>,
          %lt3A = arith.constant 24960 : i32
          %lt3A_145 = vector.broadcast %lt3A : i32 to vector<16xi32>
          %lt3A_146 = arith.cmpi slt, %get3A_144, %lt3A_145 : vector<16xi32>
          %sub3A = arith.constant 0 : i32
          %sub3A_147 = vector.broadcast %sub3A : i32 to vector<16xi32>
          %sub3A_148 = arith.subi %get3A_144, %sub3A_147 : vector<16xi32>
          %jit3A = arith.constant 0 : i32
          %jit3A_149 = arith.constant 24959 : i32
          %max3A = vector.broadcast %jit3A : i32 to vector<16xi32>
          %max3A_150 = arith.maxsi %max3A, %sub3A_148 : vector<16xi32>
          %min3A = vector.broadcast %jit3A_149 : i32 to vector<16xi32>
          %min3A_151 = arith.minsi %min3A, %max3A_150 : vector<16xi32>
          %gather3A = tpu.vector_load_idx %arg7[%min3A_151] : memref<25216xf32, #tpu.memory_space<vmem>>[vector<16xi32>], vector<16xf32>,
          %select_n3A = arith.select %lt3A_146, %gather3A, %broadcast_in_dim3A_132 : vector<16xi1>, vector<16xf32>
          %mul3A_152 = arith.constant 16 : i32
          %mul3A_153 = arith.muli %scan3A_140, %mul3A_152 : i32
          %swap3A = arith.index_cast %mul3A_153 : i32 to index
          %swap3A_154 = tpu.vector_load %arg8[%swap3A] {strides = array<i32>} : memref<4096xf32, #tpu.memory_space<vmem>>, vector<16xf32>,
          tpu.vector_store %arg8[%swap3A], %select_n3A {strides = array<i32>} : memref<4096xf32, #tpu.memory_space<vmem>>, vector<16xf32>,
          %scan3A_155 = arith.constant 0 : i32
          scf.yield %scan3A_155 : i32
        }
        %scan3A_139 = arith.constant 256 : i32
      } else {
      }
      %eq3A_41 = arith.constant 1 : i32
      %eq3A_42 = arith.cmpi eq, %shift_right_arithmetic3A_1, %eq3A_41 : i32
      %convert_element_type3A_43 = arith.extui %eq3A_42 : i1 to i32
      %cond3A_44 = arith.constant 0 : i32
      %cond3A_45 = arith.cmpi ne, %convert_element_type3A_43, %cond3A_44 : i32
      scf.if %cond3A_45 {
        "tpu.region"() ({
          %run_scoped3A = tpu.sem_alloc : memref<!tpu.dma_semaphore, #tpu.memory_space<semaphore_mem>>
          %dma_start3A = arith.constant 0 : i32
          %dma_start3A_140 = tpu.memref_slice %arg7[%dma_start3A] : memref<25216xf32, #tpu.memory_space<vmem>> -> memref<24960xf32, #tpu.memory_space<vmem>>
          %dma_start3A_141 = arith.constant 24960 : i32
          %dma_start3A_142 = tpu.memref_slice %arg9[%and3A_0, %dma_start3A_141] : memref<8x49920xf32, #tpu.memory_space<vmem_shared>> -> memref<1x24960xf32, #tpu.memory_space<vmem_shared>>
          %dma_start3A_143 = tpu.memref_squeeze %dma_start3A_142 : memref<1x24960xf32, #tpu.memory_space<vmem_shared>> -> memref<24960xf32, #tpu.memory_space<vmem_shared>>
          %dma_start3A_144 = arith.constant 0 : i32
          %dma_start3A_145 = tpu.memref_slice %arg7[%dma_start3A_144] : memref<25216xf32, #tpu.memory_space<vmem>> -> memref<24960xf32, #tpu.memory_space<vmem>>
          %dma_start3A_146 = arith.constant 24960 : i32
          %dma_start3A_147 = tpu.memref_slice %arg9[%and3A_0, %dma_start3A_146] : memref<8x49920xf32, #tpu.memory_space<vmem_shared>> -> memref<1x24960xf32, #tpu.memory_space<vmem_shared>>
          %dma_start3A_148 = tpu.memref_squeeze %dma_start3A_147 : memref<1x24960xf32, #tpu.memory_space<vmem_shared>> -> memref<24960xf32, #tpu.memory_space<vmem_shared>>
          tpu.enqueue_dma source(%dma_start3A_148 : memref<24960xf32, #tpu.memory_space<vmem_shared>>) target(%dma_start3A_145 : memref<24960xf32, #tpu.memory_space<vmem>>) target_semaphore(%run_scoped3A : memref<!tpu.dma_semaphore, #tpu.memory_space<semaphore_mem>>)
          %dma_wait3A = arith.constant 0 : i32
          %dma_wait3A_149 = tpu.memref_slice %arg7[%dma_wait3A] : memref<25216xf32, #tpu.memory_space<vmem>> -> memref<24960xf32, #tpu.memory_space<vmem>>
          %dma_wait3A_150 = arith.constant 24960 : i32
          %dma_wait3A_151 = tpu.memref_slice %arg9[%and3A_0, %dma_wait3A_150] : memref<8x49920xf32, #tpu.memory_space<vmem_shared>> -> memref<1x24960xf32, #tpu.memory_space<vmem_shared>>
          %dma_wait3A_152 = tpu.memref_squeeze %dma_wait3A_151 : memref<1x24960xf32, #tpu.memory_space<vmem_shared>> -> memref<24960xf32, #tpu.memory_space<vmem_shared>>
          %dma_wait3A_153 = arith.constant 0 : i32
          %dma_wait3A_154 = tpu.memref_slice %arg7[%dma_wait3A_153] : memref<25216xf32, #tpu.memory_space<vmem>> -> memref<24960xf32, #tpu.memory_space<vmem>>
          %dma_wait3A_155 = arith.constant 24960 : i32
          %dma_wait3A_156 = tpu.memref_slice %arg9[%and3A_0, %dma_wait3A_155] : memref<8x49920xf32, #tpu.memory_space<vmem_shared>> -> memref<1x24960xf32, #tpu.memory_space<vmem_shared>>
          %dma_wait3A_157 = tpu.memref_squeeze %dma_wait3A_156 : memref<1x24960xf32, #tpu.memory_space<vmem_shared>> -> memref<24960xf32, #tpu.memory_space<vmem_shared>>
          tpu.wait_dma2 semaphore(%run_scoped3A : memref<!tpu.dma_semaphore, #tpu.memory_space<semaphore_mem>>) src(%dma_wait3A_157 : memref<24960xf32, #tpu.memory_space<vmem_shared>>) dst(%dma_wait3A_154 : memref<24960xf32, #tpu.memory_space<vmem>>)
          tpu.yield
        }) : () -> ()
        %broadcast_in_dim3A = arith.constant 0.000000e+00 : f32
        %broadcast_in_dim3A_132 = vector.broadcast %broadcast_in_dim3A : f32 to vector<16xf32>
        %scan3A_133 = arith.constant 0 : i32
        %scan3A_134 = arith.constant 0 : i32
        %scan3A_135 = arith.constant 256 : i32
        %scan3A_136 = arith.addi %scan3A_134, %scan3A_135 : i32
        %scan3A_137 = arith.constant 1 : i32
        %scan3A_138 = scf.for %scan3A_140 = %scan3A_134 to %scan3A_136 step %scan3A_137 iter_args(%scan3A_141 = %scan3A_133) -> (i32)  : i32 {
          %mul3A_142 = arith.constant 16 : i32
          %mul3A_143 = arith.muli %scan3A_140, %mul3A_142 : i32
          %get3A = arith.index_cast %mul3A_143 : i32 to index
          %get3A_144 = tpu.vector_load %arg6[%get3A] {strides = array<i32>} : memref<4096xi32, #tpu.memory_space<vmem>>, vector<16xi32>,
          %ge3A = arith.constant 24960 : i32
          %ge3A_145 = vector.broadcast %ge3A : i32 to vector<16xi32>
          %ge3A_146 = arith.cmpi sge, %get3A_144, %ge3A_145 : vector<16xi32>
          %lt3A = arith.constant 49920 : i32
          %lt3A_147 = vector.broadcast %lt3A : i32 to vector<16xi32>
          %lt3A_148 = arith.cmpi slt, %get3A_144, %lt3A_147 : vector<16xi32>
          %and3A_149 = arith.andi %ge3A_146, %lt3A_148 : vector<16xi1>
          %sub3A = arith.constant 24960 : i32
          %sub3A_150 = vector.broadcast %sub3A : i32 to vector<16xi32>
          %sub3A_151 = arith.subi %get3A_144, %sub3A_150 : vector<16xi32>
          %jit3A = arith.constant 0 : i32
          %jit3A_152 = arith.constant 24959 : i32
          %max3A = vector.broadcast %jit3A : i32 to vector<16xi32>
          %max3A_153 = arith.maxsi %max3A, %sub3A_151 : vector<16xi32>
          %min3A = vector.broadcast %jit3A_152 : i32 to vector<16xi32>
          %min3A_154 = arith.minsi %min3A, %max3A_153 : vector<16xi32>
          %gather3A = tpu.vector_load_idx %arg7[%min3A_154] : memref<25216xf32, #tpu.memory_space<vmem>>[vector<16xi32>], vector<16xf32>,
          %select_n3A = arith.select %and3A_149, %gather3A, %broadcast_in_dim3A_132 : vector<16xi1>, vector<16xf32>
          %mul3A_155 = arith.constant 16 : i32
          %mul3A_156 = arith.muli %scan3A_140, %mul3A_155 : i32
          %swap3A = arith.index_cast %mul3A_156 : i32 to index
          %swap3A_157 = tpu.vector_load %arg8[%swap3A] {strides = array<i32>} : memref<4096xf32, #tpu.memory_space<vmem>>, vector<16xf32>,
          tpu.vector_store %arg8[%swap3A], %select_n3A {strides = array<i32>} : memref<4096xf32, #tpu.memory_space<vmem>>, vector<16xf32>,
          %scan3A_158 = arith.constant 0 : i32
          scf.yield %scan3A_158 : i32
        }
        %scan3A_139 = arith.constant 256 : i32
      } else {
      }
      %mul3A_46 = arith.constant 2 : i32
      %mul3A_47 = arith.muli %mul3A_46, %scan3A_15 : i32
      %eq3A_48 = arith.constant 0 : i32
      %eq3A_49 = arith.cmpi eq, %arg1, %eq3A_48 : i32
      %convert_element_type3A_50 = arith.extui %eq3A_49 : i1 to i32
      %cond3A_51 = arith.constant 0 : i32
      %cond3A_52 = arith.cmpi ne, %convert_element_type3A_50, %cond3A_51 : i32
      scf.if %cond3A_52 {
        %mul3A_132 = arith.constant 13 : i32
        %mul3A_133 = arith.muli %arg0, %mul3A_132 : i32
        %shift_right_arithmetic3A_134 = arith.constant 3 : i32
        %shift_right_arithmetic3A_135 = arith.shrsi %mul3A_47, %shift_right_arithmetic3A_134 : i32
        %add3A_136 = arith.addi %mul3A_133, %shift_right_arithmetic3A_135 : i32
        %mul3A_137 = arith.constant 64 : i32
        %mul3A_138 = arith.muli %add3A_136, %mul3A_137 : i32
        %and3A_139 = arith.constant 7 : i32
        %and3A_140 = arith.andi %mul3A_47, %and3A_139 : i32
        %mul3A_141 = arith.constant 8 : i32
        %mul3A_142 = arith.muli %and3A_140, %mul3A_141 : i32
        %add3A_143 = arith.addi %mul3A_138, %mul3A_142 : i32
        %multiple_of3A = tpu.assume_multiple %add3A_143, 8 : i32
        %dma_wait3A = arith.constant 49920 : i32
        %dma_wait3A_144 = tpu.memref_slice %arg2[%multiple_of3A, %dma_wait3A] : memref<1664x100000xf32, #tpu.memory_space<hbm>> -> memref<8x50048xf32, #tpu.memory_space<hbm>>
        tpu.wait_dma2 semaphore(%arg16 : memref<!tpu.dma_semaphore, #tpu.memory_space<semaphore_mem>>) src(%dma_wait3A_144 : memref<8x50048xf32, #tpu.memory_space<hbm>>) dst(%arg10 : memref<8x50048xf32, #tpu.memory_space<vmem_shared>>)
        %mul3A_145 = arith.constant 13 : i32
        %mul3A_146 = arith.muli %arg0, %mul3A_145 : i32
        %shift_right_arithmetic3A_147 = arith.constant 3 : i32
        %shift_right_arithmetic3A_148 = arith.shrsi %mul3A_47, %shift_right_arithmetic3A_147 : i32
        %add3A_149 = arith.addi %mul3A_146, %shift_right_arithmetic3A_148 : i32
        %mul3A_150 = arith.constant 64 : i32
        %mul3A_151 = arith.muli %add3A_149, %mul3A_150 : i32
        %and3A_152 = arith.constant 7 : i32
        %and3A_153 = arith.andi %mul3A_47, %and3A_152 : i32
        %mul3A_154 = arith.constant 8 : i32
        %mul3A_155 = arith.muli %and3A_153, %mul3A_154 : i32
        %add3A_156 = arith.addi %mul3A_151, %mul3A_155 : i32
        %multiple_of3A_157 = tpu.assume_multiple %add3A_156, 8 : i32
        %dma_wait3A_158 = arith.constant 0 : i32
        %dma_wait3A_159 = tpu.memref_slice %arg3[%multiple_of3A_157, %dma_wait3A_158] : memref<1664x128xf32, #tpu.memory_space<hbm>> -> memref<8x128xf32, #tpu.memory_space<hbm>>
        tpu.wait_dma2 semaphore(%arg17 : memref<!tpu.dma_semaphore, #tpu.memory_space<semaphore_mem>>) src(%dma_wait3A_159 : memref<8x128xf32, #tpu.memory_space<hbm>>) dst(%arg11 : memref<8x128xf32, #tpu.memory_space<vmem_shared>>)
      } else {
      }
      %barrier3A_53 = arith.constant 0 : index
      tpu.barrier barrier_id(%barrier3A_53)
      %eq3A_54 = arith.constant 0 : i32
      %eq3A_55 = arith.cmpi eq, %arg1, %eq3A_54 : i32
      %convert_element_type3A_56 = arith.extui %eq3A_55 : i1 to i32
      %cond3A_57 = arith.constant 0 : i32
      %cond3A_58 = arith.cmpi ne, %convert_element_type3A_56, %cond3A_57 : i32
      scf.if %cond3A_58 {
        %add3A_132 = arith.constant 1 : i32
        %add3A_133 = arith.addi %mul3A_47, %add3A_132 : i32
        %lt3A = arith.constant 104 : i32
        %lt3A_134 = arith.cmpi slt, %add3A_133, %lt3A : i32
        %convert_element_type3A_135 = arith.extui %lt3A_134 : i1 to i32
        %cond3A_136 = arith.constant 0 : i32
        %cond3A_137 = arith.cmpi ne, %convert_element_type3A_135, %cond3A_136 : i32
        scf.if %cond3A_137 {
          %add3A_138 = arith.constant 1 : i32
          %add3A_139 = arith.addi %mul3A_47, %add3A_138 : i32
          %mul3A_140 = arith.constant 13 : i32
          %mul3A_141 = arith.muli %arg0, %mul3A_140 : i32
          %shift_right_arithmetic3A_142 = arith.constant 3 : i32
          %shift_right_arithmetic3A_143 = arith.shrsi %add3A_139, %shift_right_arithmetic3A_142 : i32
          %add3A_144 = arith.addi %mul3A_141, %shift_right_arithmetic3A_143 : i32
          %mul3A_145 = arith.constant 64 : i32
          %mul3A_146 = arith.muli %add3A_144, %mul3A_145 : i32
          %and3A_147 = arith.constant 7 : i32
          %and3A_148 = arith.andi %add3A_139, %and3A_147 : i32
          %mul3A_149 = arith.constant 8 : i32
          %mul3A_150 = arith.muli %and3A_148, %mul3A_149 : i32
          %add3A_151 = arith.addi %mul3A_146, %mul3A_150 : i32
          %multiple_of3A = tpu.assume_multiple %add3A_151, 8 : i32
          %dma_start3A = arith.constant 0 : i32
          %dma_start3A_152 = tpu.memref_slice %arg2[%multiple_of3A, %dma_start3A] : memref<1664x100000xf32, #tpu.memory_space<hbm>> -> memref<8x49920xf32, #tpu.memory_space<hbm>>
          tpu.enqueue_dma source(%dma_start3A_152 : memref<8x49920xf32, #tpu.memory_space<hbm>>) target(%arg9 : memref<8x49920xf32, #tpu.memory_space<vmem_shared>>) target_semaphore(%arg15 : memref<!tpu.dma_semaphore, #tpu.memory_space<semaphore_mem>>)
          %add3A_153 = arith.constant 1 : i32
          %add3A_154 = arith.addi %mul3A_47, %add3A_153 : i32
          %mul3A_155 = arith.constant 13 : i32
          %mul3A_156 = arith.muli %arg0, %mul3A_155 : i32
          %shift_right_arithmetic3A_157 = arith.constant 3 : i32
          %shift_right_arithmetic3A_158 = arith.shrsi %add3A_154, %shift_right_arithmetic3A_157 : i32
          %add3A_159 = arith.addi %mul3A_156, %shift_right_arithmetic3A_158 : i32
          %mul3A_160 = arith.constant 64 : i32
          %mul3A_161 = arith.muli %add3A_159, %mul3A_160 : i32
          %and3A_162 = arith.constant 7 : i32
          %and3A_163 = arith.andi %add3A_154, %and3A_162 : i32
          %mul3A_164 = arith.constant 8 : i32
          %mul3A_165 = arith.muli %and3A_163, %mul3A_164 : i32
          %add3A_166 = arith.addi %mul3A_161, %mul3A_165 : i32
          %multiple_of3A_167 = tpu.assume_multiple %add3A_166, 8 : i32
          %dma_start3A_168 = arith.constant 0 : i32
          %dma_start3A_169 = tpu.memref_slice %arg3[%multiple_of3A_167, %dma_start3A_168] : memref<1664x128xf32, #tpu.memory_space<hbm>> -> memref<8x128xf32, #tpu.memory_space<hbm>>
          tpu.enqueue_dma source(%dma_start3A_169 : memref<8x128xf32, #tpu.memory_space<hbm>>) target(%arg12 : memref<8x128xf32, #tpu.memory_space<vmem_shared>>) target_semaphore(%arg18 : memref<!tpu.dma_semaphore, #tpu.memory_space<semaphore_mem>>)
        } else {
        }
      } else {
      }
      %eq3A_59 = arith.constant 0 : i32
      %eq3A_60 = arith.cmpi eq, %shift_right_arithmetic3A_1, %eq3A_59 : i32
      %convert_element_type3A_61 = arith.extui %eq3A_60 : i1 to i32
      %cond3A_62 = arith.constant 0 : i32
      %cond3A_63 = arith.cmpi ne, %convert_element_type3A_61, %cond3A_62 : i32
      scf.if %cond3A_63 {
        "tpu.region"() ({
          %run_scoped3A = tpu.sem_alloc : memref<!tpu.dma_semaphore, #tpu.memory_space<semaphore_mem>>
          %dma_start3A = arith.constant 0 : i32
          %dma_start3A_140 = tpu.memref_slice %arg7[%dma_start3A] : memref<25216xf32, #tpu.memory_space<vmem>> -> memref<24960xf32, #tpu.memory_space<vmem>>
          %dma_start3A_141 = arith.constant 0 : i32
          %dma_start3A_142 = tpu.memref_slice %arg10[%and3A_0, %dma_start3A_141] : memref<8x50048xf32, #tpu.memory_space<vmem_shared>> -> memref<1x24960xf32, #tpu.memory_space<vmem_shared>>
          %dma_start3A_143 = tpu.memref_squeeze %dma_start3A_142 : memref<1x24960xf32, #tpu.memory_space<vmem_shared>> -> memref<24960xf32, #tpu.memory_space<vmem_shared>>
          %dma_start3A_144 = arith.constant 0 : i32
          %dma_start3A_145 = tpu.memref_slice %arg7[%dma_start3A_144] : memref<25216xf32, #tpu.memory_space<vmem>> -> memref<24960xf32, #tpu.memory_space<vmem>>
          %dma_start3A_146 = arith.constant 0 : i32
          %dma_start3A_147 = tpu.memref_slice %arg10[%and3A_0, %dma_start3A_146] : memref<8x50048xf32, #tpu.memory_space<vmem_shared>> -> memref<1x24960xf32, #tpu.memory_space<vmem_shared>>
          %dma_start3A_148 = tpu.memref_squeeze %dma_start3A_147 : memref<1x24960xf32, #tpu.memory_space<vmem_shared>> -> memref<24960xf32, #tpu.memory_space<vmem_shared>>
          tpu.enqueue_dma source(%dma_start3A_148 : memref<24960xf32, #tpu.memory_space<vmem_shared>>) target(%dma_start3A_145 : memref<24960xf32, #tpu.memory_space<vmem>>) target_semaphore(%run_scoped3A : memref<!tpu.dma_semaphore, #tpu.memory_space<semaphore_mem>>)
          %dma_wait3A = arith.constant 0 : i32
          %dma_wait3A_149 = tpu.memref_slice %arg7[%dma_wait3A] : memref<25216xf32, #tpu.memory_space<vmem>> -> memref<24960xf32, #tpu.memory_space<vmem>>
          %dma_wait3A_150 = arith.constant 0 : i32
          %dma_wait3A_151 = tpu.memref_slice %arg10[%and3A_0, %dma_wait3A_150] : memref<8x50048xf32, #tpu.memory_space<vmem_shared>> -> memref<1x24960xf32, #tpu.memory_space<vmem_shared>>
          %dma_wait3A_152 = tpu.memref_squeeze %dma_wait3A_151 : memref<1x24960xf32, #tpu.memory_space<vmem_shared>> -> memref<24960xf32, #tpu.memory_space<vmem_shared>>
          %dma_wait3A_153 = arith.constant 0 : i32
          %dma_wait3A_154 = tpu.memref_slice %arg7[%dma_wait3A_153] : memref<25216xf32, #tpu.memory_space<vmem>> -> memref<24960xf32, #tpu.memory_space<vmem>>
          %dma_wait3A_155 = arith.constant 0 : i32
          %dma_wait3A_156 = tpu.memref_slice %arg10[%and3A_0, %dma_wait3A_155] : memref<8x50048xf32, #tpu.memory_space<vmem_shared>> -> memref<1x24960xf32, #tpu.memory_space<vmem_shared>>
          %dma_wait3A_157 = tpu.memref_squeeze %dma_wait3A_156 : memref<1x24960xf32, #tpu.memory_space<vmem_shared>> -> memref<24960xf32, #tpu.memory_space<vmem_shared>>
          tpu.wait_dma2 semaphore(%run_scoped3A : memref<!tpu.dma_semaphore, #tpu.memory_space<semaphore_mem>>) src(%dma_wait3A_157 : memref<24960xf32, #tpu.memory_space<vmem_shared>>) dst(%dma_wait3A_154 : memref<24960xf32, #tpu.memory_space<vmem>>)
          tpu.yield
        }) : () -> ()
        %broadcast_in_dim3A = arith.constant 0.000000e+00 : f32
        %broadcast_in_dim3A_132 = vector.broadcast %broadcast_in_dim3A : f32 to vector<16xf32>
        %scan3A_133 = arith.constant 0 : i32
        %scan3A_134 = arith.constant 0 : i32
        %scan3A_135 = arith.constant 256 : i32
        %scan3A_136 = arith.addi %scan3A_134, %scan3A_135 : i32
        %scan3A_137 = arith.constant 1 : i32
        %scan3A_138 = scf.for %scan3A_140 = %scan3A_134 to %scan3A_136 step %scan3A_137 iter_args(%scan3A_141 = %scan3A_133) -> (i32)  : i32 {
          %mul3A_142 = arith.constant 16 : i32
          %mul3A_143 = arith.muli %scan3A_140, %mul3A_142 : i32
          %get3A = arith.index_cast %mul3A_143 : i32 to index
          %get3A_144 = tpu.vector_load %arg6[%get3A] {strides = array<i32>} : memref<4096xi32, #tpu.memory_space<vmem>>, vector<16xi32>,
          %ge3A = arith.constant 49920 : i32
          %ge3A_145 = vector.broadcast %ge3A : i32 to vector<16xi32>
          %ge3A_146 = arith.cmpi sge, %get3A_144, %ge3A_145 : vector<16xi32>
          %lt3A = arith.constant 74880 : i32
          %lt3A_147 = vector.broadcast %lt3A : i32 to vector<16xi32>
          %lt3A_148 = arith.cmpi slt, %get3A_144, %lt3A_147 : vector<16xi32>
          %and3A_149 = arith.andi %ge3A_146, %lt3A_148 : vector<16xi1>
          %sub3A = arith.constant 49920 : i32
          %sub3A_150 = vector.broadcast %sub3A : i32 to vector<16xi32>
          %sub3A_151 = arith.subi %get3A_144, %sub3A_150 : vector<16xi32>
          %jit3A = arith.constant 0 : i32
          %jit3A_152 = arith.constant 24959 : i32
          %max3A = vector.broadcast %jit3A : i32 to vector<16xi32>
          %max3A_153 = arith.maxsi %max3A, %sub3A_151 : vector<16xi32>
          %min3A = vector.broadcast %jit3A_152 : i32 to vector<16xi32>
          %min3A_154 = arith.minsi %min3A, %max3A_153 : vector<16xi32>
          %gather3A = tpu.vector_load_idx %arg7[%min3A_154] : memref<25216xf32, #tpu.memory_space<vmem>>[vector<16xi32>], vector<16xf32>,
          %mul3A_155 = arith.constant 16 : i32
          %mul3A_156 = arith.muli %scan3A_140, %mul3A_155 : i32
          %get3A_157 = arith.index_cast %mul3A_156 : i32 to index
          %get3A_158 = tpu.vector_load %arg8[%get3A_157] {strides = array<i32>} : memref<4096xf32, #tpu.memory_space<vmem>>, vector<16xf32>,
          %select_n3A = arith.select %and3A_149, %gather3A, %get3A_158 : vector<16xi1>, vector<16xf32>
          %mul3A_159 = arith.constant 16 : i32
          %mul3A_160 = arith.muli %scan3A_140, %mul3A_159 : i32
          %swap3A = arith.index_cast %mul3A_160 : i32 to index
          %swap3A_161 = tpu.vector_load %arg8[%swap3A] {strides = array<i32>} : memref<4096xf32, #tpu.memory_space<vmem>>, vector<16xf32>,
          tpu.vector_store %arg8[%swap3A], %select_n3A {strides = array<i32>} : memref<4096xf32, #tpu.memory_space<vmem>>, vector<16xf32>,
          %scan3A_162 = arith.constant 0 : i32
          scf.yield %scan3A_162 : i32
        }
        %scan3A_139 = arith.constant 256 : i32
      } else {
      }
      %eq3A_64 = arith.constant 1 : i32
      %eq3A_65 = arith.cmpi eq, %shift_right_arithmetic3A_1, %eq3A_64 : i32
      %convert_element_type3A_66 = arith.extui %eq3A_65 : i1 to i32
      %cond3A_67 = arith.constant 0 : i32
      %cond3A_68 = arith.cmpi ne, %convert_element_type3A_66, %cond3A_67 : i32
      scf.if %cond3A_68 {
        "tpu.region"() ({
          %run_scoped3A = tpu.sem_alloc : memref<!tpu.dma_semaphore, #tpu.memory_space<semaphore_mem>>
          %dma_start3A = arith.constant 0 : i32
          %dma_start3A_140 = tpu.memref_slice %arg7[%dma_start3A] : memref<25216xf32, #tpu.memory_space<vmem>> -> memref<25088xf32, #tpu.memory_space<vmem>>
          %dma_start3A_141 = arith.constant 24960 : i32
          %dma_start3A_142 = tpu.memref_slice %arg10[%and3A_0, %dma_start3A_141] : memref<8x50048xf32, #tpu.memory_space<vmem_shared>> -> memref<1x25088xf32, #tpu.memory_space<vmem_shared>>
          %dma_start3A_143 = tpu.memref_squeeze %dma_start3A_142 : memref<1x25088xf32, #tpu.memory_space<vmem_shared>> -> memref<25088xf32, #tpu.memory_space<vmem_shared>>
          %dma_start3A_144 = arith.constant 0 : i32
          %dma_start3A_145 = tpu.memref_slice %arg7[%dma_start3A_144] : memref<25216xf32, #tpu.memory_space<vmem>> -> memref<25088xf32, #tpu.memory_space<vmem>>
          %dma_start3A_146 = arith.constant 24960 : i32
          %dma_start3A_147 = tpu.memref_slice %arg10[%and3A_0, %dma_start3A_146] : memref<8x50048xf32, #tpu.memory_space<vmem_shared>> -> memref<1x25088xf32, #tpu.memory_space<vmem_shared>>
          %dma_start3A_148 = tpu.memref_squeeze %dma_start3A_147 : memref<1x25088xf32, #tpu.memory_space<vmem_shared>> -> memref<25088xf32, #tpu.memory_space<vmem_shared>>
          tpu.enqueue_dma source(%dma_start3A_148 : memref<25088xf32, #tpu.memory_space<vmem_shared>>) target(%dma_start3A_145 : memref<25088xf32, #tpu.memory_space<vmem>>) target_semaphore(%run_scoped3A : memref<!tpu.dma_semaphore, #tpu.memory_space<semaphore_mem>>)
          %dma_wait3A = arith.constant 0 : i32
          %dma_wait3A_149 = tpu.memref_slice %arg7[%dma_wait3A] : memref<25216xf32, #tpu.memory_space<vmem>> -> memref<25088xf32, #tpu.memory_space<vmem>>
          %dma_wait3A_150 = arith.constant 24960 : i32
          %dma_wait3A_151 = tpu.memref_slice %arg10[%and3A_0, %dma_wait3A_150] : memref<8x50048xf32, #tpu.memory_space<vmem_shared>> -> memref<1x25088xf32, #tpu.memory_space<vmem_shared>>
          %dma_wait3A_152 = tpu.memref_squeeze %dma_wait3A_151 : memref<1x25088xf32, #tpu.memory_space<vmem_shared>> -> memref<25088xf32, #tpu.memory_space<vmem_shared>>
          %dma_wait3A_153 = arith.constant 0 : i32
          %dma_wait3A_154 = tpu.memref_slice %arg7[%dma_wait3A_153] : memref<25216xf32, #tpu.memory_space<vmem>> -> memref<25088xf32, #tpu.memory_space<vmem>>
          %dma_wait3A_155 = arith.constant 24960 : i32
          %dma_wait3A_156 = tpu.memref_slice %arg10[%and3A_0, %dma_wait3A_155] : memref<8x50048xf32, #tpu.memory_space<vmem_shared>> -> memref<1x25088xf32, #tpu.memory_space<vmem_shared>>
          %dma_wait3A_157 = tpu.memref_squeeze %dma_wait3A_156 : memref<1x25088xf32, #tpu.memory_space<vmem_shared>> -> memref<25088xf32, #tpu.memory_space<vmem_shared>>
          tpu.wait_dma2 semaphore(%run_scoped3A : memref<!tpu.dma_semaphore, #tpu.memory_space<semaphore_mem>>) src(%dma_wait3A_157 : memref<25088xf32, #tpu.memory_space<vmem_shared>>) dst(%dma_wait3A_154 : memref<25088xf32, #tpu.memory_space<vmem>>)
          tpu.yield
        }) : () -> ()
        "tpu.region"() ({
          %run_scoped3A = tpu.sem_alloc : memref<!tpu.dma_semaphore, #tpu.memory_space<semaphore_mem>>
          %dma_start3A = arith.constant 25088 : i32
          %dma_start3A_140 = tpu.memref_slice %arg7[%dma_start3A] : memref<25216xf32, #tpu.memory_space<vmem>> -> memref<128xf32, #tpu.memory_space<vmem>>
          %dma_start3A_141 = arith.constant 0 : i32
          %dma_start3A_142 = tpu.memref_slice %arg11[%and3A_0, %dma_start3A_141] : memref<8x128xf32, #tpu.memory_space<vmem_shared>> -> memref<1x128xf32, #tpu.memory_space<vmem_shared>>
          %dma_start3A_143 = tpu.memref_squeeze %dma_start3A_142 : memref<1x128xf32, #tpu.memory_space<vmem_shared>> -> memref<128xf32, #tpu.memory_space<vmem_shared>>
          %dma_start3A_144 = arith.constant 25088 : i32
          %dma_start3A_145 = tpu.memref_slice %arg7[%dma_start3A_144] : memref<25216xf32, #tpu.memory_space<vmem>> -> memref<128xf32, #tpu.memory_space<vmem>>
          %dma_start3A_146 = arith.constant 0 : i32
          %dma_start3A_147 = tpu.memref_slice %arg11[%and3A_0, %dma_start3A_146] : memref<8x128xf32, #tpu.memory_space<vmem_shared>> -> memref<1x128xf32, #tpu.memory_space<vmem_shared>>
          %dma_start3A_148 = tpu.memref_squeeze %dma_start3A_147 : memref<1x128xf32, #tpu.memory_space<vmem_shared>> -> memref<128xf32, #tpu.memory_space<vmem_shared>>
          tpu.enqueue_dma source(%dma_start3A_148 : memref<128xf32, #tpu.memory_space<vmem_shared>>) target(%dma_start3A_145 : memref<128xf32, #tpu.memory_space<vmem>>) target_semaphore(%run_scoped3A : memref<!tpu.dma_semaphore, #tpu.memory_space<semaphore_mem>>)
          %dma_wait3A = arith.constant 25088 : i32
          %dma_wait3A_149 = tpu.memref_slice %arg7[%dma_wait3A] : memref<25216xf32, #tpu.memory_space<vmem>> -> memref<128xf32, #tpu.memory_space<vmem>>
          %dma_wait3A_150 = arith.constant 0 : i32
          %dma_wait3A_151 = tpu.memref_slice %arg11[%and3A_0, %dma_wait3A_150] : memref<8x128xf32, #tpu.memory_space<vmem_shared>> -> memref<1x128xf32, #tpu.memory_space<vmem_shared>>
          %dma_wait3A_152 = tpu.memref_squeeze %dma_wait3A_151 : memref<1x128xf32, #tpu.memory_space<vmem_shared>> -> memref<128xf32, #tpu.memory_space<vmem_shared>>
          %dma_wait3A_153 = arith.constant 25088 : i32
          %dma_wait3A_154 = tpu.memref_slice %arg7[%dma_wait3A_153] : memref<25216xf32, #tpu.memory_space<vmem>> -> memref<128xf32, #tpu.memory_space<vmem>>
          %dma_wait3A_155 = arith.constant 0 : i32
          %dma_wait3A_156 = tpu.memref_slice %arg11[%and3A_0, %dma_wait3A_155] : memref<8x128xf32, #tpu.memory_space<vmem_shared>> -> memref<1x128xf32, #tpu.memory_space<vmem_shared>>
          %dma_wait3A_157 = tpu.memref_squeeze %dma_wait3A_156 : memref<1x128xf32, #tpu.memory_space<vmem_shared>> -> memref<128xf32, #tpu.memory_space<vmem_shared>>
          tpu.wait_dma2 semaphore(%run_scoped3A : memref<!tpu.dma_semaphore, #tpu.memory_space<semaphore_mem>>) src(%dma_wait3A_157 : memref<128xf32, #tpu.memory_space<vmem_shared>>) dst(%dma_wait3A_154 : memref<128xf32, #tpu.memory_space<vmem>>)
          tpu.yield
        }) : () -> ()
        %broadcast_in_dim3A = arith.constant 0.000000e+00 : f32
        %broadcast_in_dim3A_132 = vector.broadcast %broadcast_in_dim3A : f32 to vector<16xf32>
        %scan3A_133 = arith.constant 0 : i32
        %scan3A_134 = arith.constant 0 : i32
        %scan3A_135 = arith.constant 256 : i32
        %scan3A_136 = arith.addi %scan3A_134, %scan3A_135 : i32
        %scan3A_137 = arith.constant 1 : i32
        %scan3A_138 = scf.for %scan3A_140 = %scan3A_134 to %scan3A_136 step %scan3A_137 iter_args(%scan3A_141 = %scan3A_133) -> (i32)  : i32 {
          %mul3A_142 = arith.constant 16 : i32
          %mul3A_143 = arith.muli %scan3A_140, %mul3A_142 : i32
          %get3A = arith.index_cast %mul3A_143 : i32 to index
          %get3A_144 = tpu.vector_load %arg6[%get3A] {strides = array<i32>} : memref<4096xi32, #tpu.memory_space<vmem>>, vector<16xi32>,
          %ge3A = arith.constant 74880 : i32
          %ge3A_145 = vector.broadcast %ge3A : i32 to vector<16xi32>
          %ge3A_146 = arith.cmpi sge, %get3A_144, %ge3A_145 : vector<16xi32>
          %sub3A = arith.constant 74880 : i32
          %sub3A_147 = vector.broadcast %sub3A : i32 to vector<16xi32>
          %sub3A_148 = arith.subi %get3A_144, %sub3A_147 : vector<16xi32>
          %jit3A = arith.constant 0 : i32
          %jit3A_149 = arith.constant 25215 : i32
          %max3A = vector.broadcast %jit3A : i32 to vector<16xi32>
          %max3A_150 = arith.maxsi %max3A, %sub3A_148 : vector<16xi32>
          %min3A = vector.broadcast %jit3A_149 : i32 to vector<16xi32>
          %min3A_151 = arith.minsi %min3A, %max3A_150 : vector<16xi32>
          %gather3A = tpu.vector_load_idx %arg7[%min3A_151] : memref<25216xf32, #tpu.memory_space<vmem>>[vector<16xi32>], vector<16xf32>,
          %mul3A_152 = arith.constant 16 : i32
          %mul3A_153 = arith.muli %scan3A_140, %mul3A_152 : i32
          %get3A_154 = arith.index_cast %mul3A_153 : i32 to index
          %get3A_155 = tpu.vector_load %arg8[%get3A_154] {strides = array<i32>} : memref<4096xf32, #tpu.memory_space<vmem>>, vector<16xf32>,
          %select_n3A = arith.select %ge3A_146, %gather3A, %get3A_155 : vector<16xi1>, vector<16xf32>
          %mul3A_156 = arith.constant 16 : i32
          %mul3A_157 = arith.muli %scan3A_140, %mul3A_156 : i32
          %swap3A = arith.index_cast %mul3A_157 : i32 to index
          %swap3A_158 = tpu.vector_load %arg8[%swap3A] {strides = array<i32>} : memref<4096xf32, #tpu.memory_space<vmem>>, vector<16xf32>,
          tpu.vector_store %arg8[%swap3A], %select_n3A {strides = array<i32>} : memref<4096xf32, #tpu.memory_space<vmem>>, vector<16xf32>,
          %scan3A_159 = arith.constant 0 : i32
          scf.yield %scan3A_159 : i32
        }
        %scan3A_139 = arith.constant 256 : i32
      } else {
      }
      %mul3A_69 = arith.constant 2 : i32
      %mul3A_70 = arith.muli %and3A_0, %mul3A_69 : i32
      %add3A = arith.addi %mul3A_70, %shift_right_arithmetic3A_1 : i32
      "tpu.region"() ({
        %run_scoped3A = tpu.sem_alloc : memref<!tpu.dma_semaphore, #tpu.memory_space<semaphore_mem>>
        %dma_start3A = arith.constant 0 : i32
        %dma_start3A_132 = tpu.memref_slice %arg13[%add3A, %dma_start3A] : memref<16x4096xf32, #tpu.memory_space<vmem_shared>> -> memref<1x4096xf32, #tpu.memory_space<vmem_shared>>
        %dma_start3A_133 = tpu.memref_squeeze %dma_start3A_132 : memref<1x4096xf32, #tpu.memory_space<vmem_shared>> -> memref<4096xf32, #tpu.memory_space<vmem_shared>>
        %dma_start3A_134 = arith.constant 0 : i32
        %dma_start3A_135 = tpu.memref_slice %arg13[%add3A, %dma_start3A_134] : memref<16x4096xf32, #tpu.memory_space<vmem_shared>> -> memref<1x4096xf32, #tpu.memory_space<vmem_shared>>
        %dma_start3A_136 = tpu.memref_squeeze %dma_start3A_135 : memref<1x4096xf32, #tpu.memory_space<vmem_shared>> -> memref<4096xf32, #tpu.memory_space<vmem_shared>>
        tpu.enqueue_dma source(%arg8 : memref<4096xf32, #tpu.memory_space<vmem>>) target(%dma_start3A_136 : memref<4096xf32, #tpu.memory_space<vmem_shared>>) target_semaphore(%run_scoped3A : memref<!tpu.dma_semaphore, #tpu.memory_space<semaphore_mem>>)
        %dma_wait3A = arith.constant 0 : i32
        %dma_wait3A_137 = tpu.memref_slice %arg13[%add3A, %dma_wait3A] : memref<16x4096xf32, #tpu.memory_space<vmem_shared>> -> memref<1x4096xf32, #tpu.memory_space<vmem_shared>>
        %dma_wait3A_138 = tpu.memref_squeeze %dma_wait3A_137 : memref<1x4096xf32, #tpu.memory_space<vmem_shared>> -> memref<4096xf32, #tpu.memory_space<vmem_shared>>
        %dma_wait3A_139 = arith.constant 0 : i32
        %dma_wait3A_140 = tpu.memref_slice %arg13[%add3A, %dma_wait3A_139] : memref<16x4096xf32, #tpu.memory_space<vmem_shared>> -> memref<1x4096xf32, #tpu.memory_space<vmem_shared>>
        %dma_wait3A_141 = tpu.memref_squeeze %dma_wait3A_140 : memref<1x4096xf32, #tpu.memory_space<vmem_shared>> -> memref<4096xf32, #tpu.memory_space<vmem_shared>>
        tpu.wait_dma2 semaphore(%run_scoped3A : memref<!tpu.dma_semaphore, #tpu.memory_space<semaphore_mem>>) src(%arg8 : memref<4096xf32, #tpu.memory_space<vmem>>) dst(%dma_wait3A_141 : memref<4096xf32, #tpu.memory_space<vmem_shared>>)
        tpu.yield
      }) : () -> ()
      %mul3A_71 = arith.constant 2 : i32
      %mul3A_72 = arith.muli %mul3A_71, %scan3A_15 : i32
      %add3A_73 = arith.constant 1 : i32
      %add3A_74 = arith.addi %mul3A_72, %add3A_73 : i32
      %eq3A_75 = arith.constant 0 : i32
      %eq3A_76 = arith.cmpi eq, %arg1, %eq3A_75 : i32
      %convert_element_type3A_77 = arith.extui %eq3A_76 : i1 to i32
      %cond3A_78 = arith.constant 0 : i32
      %cond3A_79 = arith.cmpi ne, %convert_element_type3A_77, %cond3A_78 : i32
      scf.if %cond3A_79 {
        %mul3A_132 = arith.constant 13 : i32
        %mul3A_133 = arith.muli %arg0, %mul3A_132 : i32
        %shift_right_arithmetic3A_134 = arith.constant 3 : i32
        %shift_right_arithmetic3A_135 = arith.shrsi %add3A_74, %shift_right_arithmetic3A_134 : i32
        %add3A_136 = arith.addi %mul3A_133, %shift_right_arithmetic3A_135 : i32
        %mul3A_137 = arith.constant 64 : i32
        %mul3A_138 = arith.muli %add3A_136, %mul3A_137 : i32
        %and3A_139 = arith.constant 7 : i32
        %and3A_140 = arith.andi %add3A_74, %and3A_139 : i32
        %mul3A_141 = arith.constant 8 : i32
        %mul3A_142 = arith.muli %and3A_140, %mul3A_141 : i32
        %add3A_143 = arith.addi %mul3A_138, %mul3A_142 : i32
        %multiple_of3A = tpu.assume_multiple %add3A_143, 8 : i32
        %dma_wait3A = arith.constant 0 : i32
        %dma_wait3A_144 = tpu.memref_slice %arg2[%multiple_of3A, %dma_wait3A] : memref<1664x100000xf32, #tpu.memory_space<hbm>> -> memref<8x49920xf32, #tpu.memory_space<hbm>>
        tpu.wait_dma2 semaphore(%arg15 : memref<!tpu.dma_semaphore, #tpu.memory_space<semaphore_mem>>) src(%dma_wait3A_144 : memref<8x49920xf32, #tpu.memory_space<hbm>>) dst(%arg9 : memref<8x49920xf32, #tpu.memory_space<vmem_shared>>)
      } else {
      }
      %barrier3A_80 = arith.constant 0 : index
      tpu.barrier barrier_id(%barrier3A_80)
      %eq3A_81 = arith.constant 0 : i32
      %eq3A_82 = arith.cmpi eq, %arg1, %eq3A_81 : i32
      %convert_element_type3A_83 = arith.extui %eq3A_82 : i1 to i32
      %cond3A_84 = arith.constant 0 : i32
      %cond3A_85 = arith.cmpi ne, %convert_element_type3A_83, %cond3A_84 : i32
      scf.if %cond3A_85 {
        %mul3A_132 = arith.constant 13 : i32
        %mul3A_133 = arith.muli %arg0, %mul3A_132 : i32
        %shift_right_arithmetic3A_134 = arith.constant 3 : i32
        %shift_right_arithmetic3A_135 = arith.shrsi %add3A_74, %shift_right_arithmetic3A_134 : i32
        %add3A_136 = arith.addi %mul3A_133, %shift_right_arithmetic3A_135 : i32
        %mul3A_137 = arith.constant 64 : i32
        %mul3A_138 = arith.muli %add3A_136, %mul3A_137 : i32
        %and3A_139 = arith.constant 7 : i32
        %and3A_140 = arith.andi %add3A_74, %and3A_139 : i32
        %mul3A_141 = arith.constant 8 : i32
        %mul3A_142 = arith.muli %and3A_140, %mul3A_141 : i32
        %add3A_143 = arith.addi %mul3A_138, %mul3A_142 : i32
        %multiple_of3A = tpu.assume_multiple %add3A_143, 8 : i32
        %dma_start3A = arith.constant 49920 : i32
        %dma_start3A_144 = tpu.memref_slice %arg2[%multiple_of3A, %dma_start3A] : memref<1664x100000xf32, #tpu.memory_space<hbm>> -> memref<8x50048xf32, #tpu.memory_space<hbm>>
        tpu.enqueue_dma source(%dma_start3A_144 : memref<8x50048xf32, #tpu.memory_space<hbm>>) target(%arg10 : memref<8x50048xf32, #tpu.memory_space<vmem_shared>>) target_semaphore(%arg16 : memref<!tpu.dma_semaphore, #tpu.memory_space<semaphore_mem>>)
        %gt3A = arith.constant 0 : i32
        %gt3A_145 = arith.cmpi sgt, %add3A_74, %gt3A : i32
        %convert_element_type3A_146 = arith.extui %gt3A_145 : i1 to i32
        %cond3A_147 = arith.constant 0 : i32
        %cond3A_148 = arith.cmpi ne, %convert_element_type3A_146, %cond3A_147 : i32
        scf.if %cond3A_148 {
          %mul3A_149 = arith.constant 104 : i32
          %mul3A_150 = arith.muli %arg0, %mul3A_149 : i32
          %add3A_151 = arith.addi %mul3A_150, %add3A_74 : i32
          %sub3A = arith.constant 1 : i32
          %sub3A_152 = arith.subi %add3A_151, %sub3A : i32
          "tpu.region"() ({
            %run_scoped3A = tpu.sem_alloc : memref<!tpu.dma_semaphore, #tpu.memory_space<semaphore_mem>>
            %dma_start3A_153 = arith.constant 0 : i32
            %dma_start3A_154 = arith.constant 0 : i32
            %dma_start3A_155 = tpu.memref_slice %arg5[%sub3A_152, %dma_start3A_153, %dma_start3A_154] : memref<208x16x4096xf32, #tpu.memory_space<hbm>> -> memref<1x16x4096xf32, #tpu.memory_space<hbm>>
            %dma_start3A_156 = tpu.memref_squeeze %dma_start3A_155 : memref<1x16x4096xf32, #tpu.memory_space<hbm>> -> memref<16x4096xf32, #tpu.memory_space<hbm>>
            tpu.enqueue_dma source(%arg13 : memref<16x4096xf32, #tpu.memory_space<vmem_shared>>) target(%dma_start3A_156 : memref<16x4096xf32, #tpu.memory_space<hbm>>) target_semaphore(%run_scoped3A : memref<!tpu.dma_semaphore, #tpu.memory_space<semaphore_mem>>)
            %dma_wait3A = arith.constant 0 : i32
            %dma_wait3A_157 = arith.constant 0 : i32
            %dma_wait3A_158 = tpu.memref_slice %arg5[%sub3A_152, %dma_wait3A, %dma_wait3A_157] : memref<208x16x4096xf32, #tpu.memory_space<hbm>> -> memref<1x16x4096xf32, #tpu.memory_space<hbm>>
            %dma_wait3A_159 = tpu.memref_squeeze %dma_wait3A_158 : memref<1x16x4096xf32, #tpu.memory_space<hbm>> -> memref<16x4096xf32, #tpu.memory_space<hbm>>
            tpu.wait_dma2 semaphore(%run_scoped3A : memref<!tpu.dma_semaphore, #tpu.memory_space<semaphore_mem>>) src(%arg13 : memref<16x4096xf32, #tpu.memory_space<vmem_shared>>) dst(%dma_wait3A_159 : memref<16x4096xf32, #tpu.memory_space<hbm>>)
            tpu.yield
          }) : () -> ()
        } else {
        }
      } else {
      }
      %and3A_86 = arith.constant 7 : i32
      %and3A_87 = arith.andi %add3A_74, %and3A_86 : i32
      %eq3A_88 = arith.constant 0 : i32
      %eq3A_89 = arith.cmpi eq, %and3A_87, %eq3A_88 : i32
      %convert_element_type3A_90 = arith.extui %eq3A_89 : i1 to i32
      %cond3A_91 = arith.constant 0 : i32
      %cond3A_92 = arith.cmpi ne, %convert_element_type3A_90, %cond3A_91 : i32
      scf.if %cond3A_92 {
        %mul3A_132 = arith.constant 13 : i32
        %mul3A_133 = arith.muli %arg0, %mul3A_132 : i32
        %shift_right_arithmetic3A_134 = arith.constant 3 : i32
        %shift_right_arithmetic3A_135 = arith.shrsi %add3A_74, %shift_right_arithmetic3A_134 : i32
        %add3A_136 = arith.addi %mul3A_133, %shift_right_arithmetic3A_135 : i32
        %mul3A_137 = arith.constant 4096 : i32
        %mul3A_138 = arith.muli %add3A_136, %mul3A_137 : i32
        %multiple_of3A = tpu.assume_multiple %mul3A_138, 8 : i32
        "tpu.region"() ({
          %run_scoped3A = tpu.sem_alloc : memref<!tpu.dma_semaphore, #tpu.memory_space<semaphore_mem>>
          %dma_start3A = tpu.memref_slice %arg4[%multiple_of3A] : memref<106496xi32, #tpu.memory_space<hbm>> -> memref<4096xi32, #tpu.memory_space<hbm>>
          %dma_start3A_139 = tpu.memref_slice %arg4[%multiple_of3A] : memref<106496xi32, #tpu.memory_space<hbm>> -> memref<4096xi32, #tpu.memory_space<hbm>>
          tpu.enqueue_dma source(%dma_start3A_139 : memref<4096xi32, #tpu.memory_space<hbm>>) target(%arg6 : memref<4096xi32, #tpu.memory_space<vmem>>) target_semaphore(%run_scoped3A : memref<!tpu.dma_semaphore, #tpu.memory_space<semaphore_mem>>)
          %dma_wait3A = tpu.memref_slice %arg4[%multiple_of3A] : memref<106496xi32, #tpu.memory_space<hbm>> -> memref<4096xi32, #tpu.memory_space<hbm>>
          %dma_wait3A_140 = tpu.memref_slice %arg4[%multiple_of3A] : memref<106496xi32, #tpu.memory_space<hbm>> -> memref<4096xi32, #tpu.memory_space<hbm>>
          tpu.wait_dma2 semaphore(%run_scoped3A : memref<!tpu.dma_semaphore, #tpu.memory_space<semaphore_mem>>) src(%dma_wait3A_140 : memref<4096xi32, #tpu.memory_space<hbm>>) dst(%arg6 : memref<4096xi32, #tpu.memory_space<vmem>>)
          tpu.yield
        }) : () -> ()
      } else {
      }
      %eq3A_93 = arith.constant 0 : i32
      %eq3A_94 = arith.cmpi eq, %shift_right_arithmetic3A_1, %eq3A_93 : i32
      %convert_element_type3A_95 = arith.extui %eq3A_94 : i1 to i32
      %cond3A_96 = arith.constant 0 : i32
      %cond3A_97 = arith.cmpi ne, %convert_element_type3A_95, %cond3A_96 : i32
      scf.if %cond3A_97 {
        "tpu.region"() ({
          %run_scoped3A = tpu.sem_alloc : memref<!tpu.dma_semaphore, #tpu.memory_space<semaphore_mem>>
          %dma_start3A = arith.constant 0 : i32
          %dma_start3A_140 = tpu.memref_slice %arg7[%dma_start3A] : memref<25216xf32, #tpu.memory_space<vmem>> -> memref<24960xf32, #tpu.memory_space<vmem>>
          %dma_start3A_141 = arith.constant 0 : i32
          %dma_start3A_142 = tpu.memref_slice %arg9[%and3A_0, %dma_start3A_141] : memref<8x49920xf32, #tpu.memory_space<vmem_shared>> -> memref<1x24960xf32, #tpu.memory_space<vmem_shared>>
          %dma_start3A_143 = tpu.memref_squeeze %dma_start3A_142 : memref<1x24960xf32, #tpu.memory_space<vmem_shared>> -> memref<24960xf32, #tpu.memory_space<vmem_shared>>
          %dma_start3A_144 = arith.constant 0 : i32
          %dma_start3A_145 = tpu.memref_slice %arg7[%dma_start3A_144] : memref<25216xf32, #tpu.memory_space<vmem>> -> memref<24960xf32, #tpu.memory_space<vmem>>
          %dma_start3A_146 = arith.constant 0 : i32
          %dma_start3A_147 = tpu.memref_slice %arg9[%and3A_0, %dma_start3A_146] : memref<8x49920xf32, #tpu.memory_space<vmem_shared>> -> memref<1x24960xf32, #tpu.memory_space<vmem_shared>>
          %dma_start3A_148 = tpu.memref_squeeze %dma_start3A_147 : memref<1x24960xf32, #tpu.memory_space<vmem_shared>> -> memref<24960xf32, #tpu.memory_space<vmem_shared>>
          tpu.enqueue_dma source(%dma_start3A_148 : memref<24960xf32, #tpu.memory_space<vmem_shared>>) target(%dma_start3A_145 : memref<24960xf32, #tpu.memory_space<vmem>>) target_semaphore(%run_scoped3A : memref<!tpu.dma_semaphore, #tpu.memory_space<semaphore_mem>>)
          %dma_wait3A = arith.constant 0 : i32
          %dma_wait3A_149 = tpu.memref_slice %arg7[%dma_wait3A] : memref<25216xf32, #tpu.memory_space<vmem>> -> memref<24960xf32, #tpu.memory_space<vmem>>
          %dma_wait3A_150 = arith.constant 0 : i32
          %dma_wait3A_151 = tpu.memref_slice %arg9[%and3A_0, %dma_wait3A_150] : memref<8x49920xf32, #tpu.memory_space<vmem_shared>> -> memref<1x24960xf32, #tpu.memory_space<vmem_shared>>
          %dma_wait3A_152 = tpu.memref_squeeze %dma_wait3A_151 : memref<1x24960xf32, #tpu.memory_space<vmem_shared>> -> memref<24960xf32, #tpu.memory_space<vmem_shared>>
          %dma_wait3A_153 = arith.constant 0 : i32
          %dma_wait3A_154 = tpu.memref_slice %arg7[%dma_wait3A_153] : memref<25216xf32, #tpu.memory_space<vmem>> -> memref<24960xf32, #tpu.memory_space<vmem>>
          %dma_wait3A_155 = arith.constant 0 : i32
          %dma_wait3A_156 = tpu.memref_slice %arg9[%and3A_0, %dma_wait3A_155] : memref<8x49920xf32, #tpu.memory_space<vmem_shared>> -> memref<1x24960xf32, #tpu.memory_space<vmem_shared>>
          %dma_wait3A_157 = tpu.memref_squeeze %dma_wait3A_156 : memref<1x24960xf32, #tpu.memory_space<vmem_shared>> -> memref<24960xf32, #tpu.memory_space<vmem_shared>>
          tpu.wait_dma2 semaphore(%run_scoped3A : memref<!tpu.dma_semaphore, #tpu.memory_space<semaphore_mem>>) src(%dma_wait3A_157 : memref<24960xf32, #tpu.memory_space<vmem_shared>>) dst(%dma_wait3A_154 : memref<24960xf32, #tpu.memory_space<vmem>>)
          tpu.yield
        }) : () -> ()
        %broadcast_in_dim3A = arith.constant 0.000000e+00 : f32
        %broadcast_in_dim3A_132 = vector.broadcast %broadcast_in_dim3A : f32 to vector<16xf32>
        %scan3A_133 = arith.constant 0 : i32
        %scan3A_134 = arith.constant 0 : i32
        %scan3A_135 = arith.constant 256 : i32
        %scan3A_136 = arith.addi %scan3A_134, %scan3A_135 : i32
        %scan3A_137 = arith.constant 1 : i32
        %scan3A_138 = scf.for %scan3A_140 = %scan3A_134 to %scan3A_136 step %scan3A_137 iter_args(%scan3A_141 = %scan3A_133) -> (i32)  : i32 {
          %mul3A_142 = arith.constant 16 : i32
          %mul3A_143 = arith.muli %scan3A_140, %mul3A_142 : i32
          %get3A = arith.index_cast %mul3A_143 : i32 to index
          %get3A_144 = tpu.vector_load %arg6[%get3A] {strides = array<i32>} : memref<4096xi32, #tpu.memory_space<vmem>>, vector<16xi32>,
          %lt3A = arith.constant 24960 : i32
          %lt3A_145 = vector.broadcast %lt3A : i32 to vector<16xi32>
          %lt3A_146 = arith.cmpi slt, %get3A_144, %lt3A_145 : vector<16xi32>
          %sub3A = arith.constant 0 : i32
          %sub3A_147 = vector.broadcast %sub3A : i32 to vector<16xi32>
          %sub3A_148 = arith.subi %get3A_144, %sub3A_147 : vector<16xi32>
          %jit3A = arith.constant 0 : i32
          %jit3A_149 = arith.constant 24959 : i32
          %max3A = vector.broadcast %jit3A : i32 to vector<16xi32>
          %max3A_150 = arith.maxsi %max3A, %sub3A_148 : vector<16xi32>
          %min3A = vector.broadcast %jit3A_149 : i32 to vector<16xi32>
          %min3A_151 = arith.minsi %min3A, %max3A_150 : vector<16xi32>
          %gather3A = tpu.vector_load_idx %arg7[%min3A_151] : memref<25216xf32, #tpu.memory_space<vmem>>[vector<16xi32>], vector<16xf32>,
          %select_n3A = arith.select %lt3A_146, %gather3A, %broadcast_in_dim3A_132 : vector<16xi1>, vector<16xf32>
          %mul3A_152 = arith.constant 16 : i32
          %mul3A_153 = arith.muli %scan3A_140, %mul3A_152 : i32
          %swap3A = arith.index_cast %mul3A_153 : i32 to index
          %swap3A_154 = tpu.vector_load %arg8[%swap3A] {strides = array<i32>} : memref<4096xf32, #tpu.memory_space<vmem>>, vector<16xf32>,
          tpu.vector_store %arg8[%swap3A], %select_n3A {strides = array<i32>} : memref<4096xf32, #tpu.memory_space<vmem>>, vector<16xf32>,
          %scan3A_155 = arith.constant 0 : i32
          scf.yield %scan3A_155 : i32
        }
        %scan3A_139 = arith.constant 256 : i32
      } else {
      }
      %eq3A_98 = arith.constant 1 : i32
      %eq3A_99 = arith.cmpi eq, %shift_right_arithmetic3A_1, %eq3A_98 : i32
      %convert_element_type3A_100 = arith.extui %eq3A_99 : i1 to i32
      %cond3A_101 = arith.constant 0 : i32
      %cond3A_102 = arith.cmpi ne, %convert_element_type3A_100, %cond3A_101 : i32
      scf.if %cond3A_102 {
        "tpu.region"() ({
          %run_scoped3A = tpu.sem_alloc : memref<!tpu.dma_semaphore, #tpu.memory_space<semaphore_mem>>
          %dma_start3A = arith.constant 0 : i32
          %dma_start3A_140 = tpu.memref_slice %arg7[%dma_start3A] : memref<25216xf32, #tpu.memory_space<vmem>> -> memref<24960xf32, #tpu.memory_space<vmem>>
          %dma_start3A_141 = arith.constant 24960 : i32
          %dma_start3A_142 = tpu.memref_slice %arg9[%and3A_0, %dma_start3A_141] : memref<8x49920xf32, #tpu.memory_space<vmem_shared>> -> memref<1x24960xf32, #tpu.memory_space<vmem_shared>>
          %dma_start3A_143 = tpu.memref_squeeze %dma_start3A_142 : memref<1x24960xf32, #tpu.memory_space<vmem_shared>> -> memref<24960xf32, #tpu.memory_space<vmem_shared>>
          %dma_start3A_144 = arith.constant 0 : i32
          %dma_start3A_145 = tpu.memref_slice %arg7[%dma_start3A_144] : memref<25216xf32, #tpu.memory_space<vmem>> -> memref<24960xf32, #tpu.memory_space<vmem>>
          %dma_start3A_146 = arith.constant 24960 : i32
          %dma_start3A_147 = tpu.memref_slice %arg9[%and3A_0, %dma_start3A_146] : memref<8x49920xf32, #tpu.memory_space<vmem_shared>> -> memref<1x24960xf32, #tpu.memory_space<vmem_shared>>
          %dma_start3A_148 = tpu.memref_squeeze %dma_start3A_147 : memref<1x24960xf32, #tpu.memory_space<vmem_shared>> -> memref<24960xf32, #tpu.memory_space<vmem_shared>>
          tpu.enqueue_dma source(%dma_start3A_148 : memref<24960xf32, #tpu.memory_space<vmem_shared>>) target(%dma_start3A_145 : memref<24960xf32, #tpu.memory_space<vmem>>) target_semaphore(%run_scoped3A : memref<!tpu.dma_semaphore, #tpu.memory_space<semaphore_mem>>)
          %dma_wait3A = arith.constant 0 : i32
          %dma_wait3A_149 = tpu.memref_slice %arg7[%dma_wait3A] : memref<25216xf32, #tpu.memory_space<vmem>> -> memref<24960xf32, #tpu.memory_space<vmem>>
          %dma_wait3A_150 = arith.constant 24960 : i32
          %dma_wait3A_151 = tpu.memref_slice %arg9[%and3A_0, %dma_wait3A_150] : memref<8x49920xf32, #tpu.memory_space<vmem_shared>> -> memref<1x24960xf32, #tpu.memory_space<vmem_shared>>
          %dma_wait3A_152 = tpu.memref_squeeze %dma_wait3A_151 : memref<1x24960xf32, #tpu.memory_space<vmem_shared>> -> memref<24960xf32, #tpu.memory_space<vmem_shared>>
          %dma_wait3A_153 = arith.constant 0 : i32
          %dma_wait3A_154 = tpu.memref_slice %arg7[%dma_wait3A_153] : memref<25216xf32, #tpu.memory_space<vmem>> -> memref<24960xf32, #tpu.memory_space<vmem>>
          %dma_wait3A_155 = arith.constant 24960 : i32
          %dma_wait3A_156 = tpu.memref_slice %arg9[%and3A_0, %dma_wait3A_155] : memref<8x49920xf32, #tpu.memory_space<vmem_shared>> -> memref<1x24960xf32, #tpu.memory_space<vmem_shared>>
          %dma_wait3A_157 = tpu.memref_squeeze %dma_wait3A_156 : memref<1x24960xf32, #tpu.memory_space<vmem_shared>> -> memref<24960xf32, #tpu.memory_space<vmem_shared>>
          tpu.wait_dma2 semaphore(%run_scoped3A : memref<!tpu.dma_semaphore, #tpu.memory_space<semaphore_mem>>) src(%dma_wait3A_157 : memref<24960xf32, #tpu.memory_space<vmem_shared>>) dst(%dma_wait3A_154 : memref<24960xf32, #tpu.memory_space<vmem>>)
          tpu.yield
        }) : () -> ()
        %broadcast_in_dim3A = arith.constant 0.000000e+00 : f32
        %broadcast_in_dim3A_132 = vector.broadcast %broadcast_in_dim3A : f32 to vector<16xf32>
        %scan3A_133 = arith.constant 0 : i32
        %scan3A_134 = arith.constant 0 : i32
        %scan3A_135 = arith.constant 256 : i32
        %scan3A_136 = arith.addi %scan3A_134, %scan3A_135 : i32
        %scan3A_137 = arith.constant 1 : i32
        %scan3A_138 = scf.for %scan3A_140 = %scan3A_134 to %scan3A_136 step %scan3A_137 iter_args(%scan3A_141 = %scan3A_133) -> (i32)  : i32 {
          %mul3A_142 = arith.constant 16 : i32
          %mul3A_143 = arith.muli %scan3A_140, %mul3A_142 : i32
          %get3A = arith.index_cast %mul3A_143 : i32 to index
          %get3A_144 = tpu.vector_load %arg6[%get3A] {strides = array<i32>} : memref<4096xi32, #tpu.memory_space<vmem>>, vector<16xi32>,
          %ge3A = arith.constant 24960 : i32
          %ge3A_145 = vector.broadcast %ge3A : i32 to vector<16xi32>
          %ge3A_146 = arith.cmpi sge, %get3A_144, %ge3A_145 : vector<16xi32>
          %lt3A = arith.constant 49920 : i32
          %lt3A_147 = vector.broadcast %lt3A : i32 to vector<16xi32>
          %lt3A_148 = arith.cmpi slt, %get3A_144, %lt3A_147 : vector<16xi32>
          %and3A_149 = arith.andi %ge3A_146, %lt3A_148 : vector<16xi1>
          %sub3A = arith.constant 24960 : i32
          %sub3A_150 = vector.broadcast %sub3A : i32 to vector<16xi32>
          %sub3A_151 = arith.subi %get3A_144, %sub3A_150 : vector<16xi32>
          %jit3A = arith.constant 0 : i32
          %jit3A_152 = arith.constant 24959 : i32
          %max3A = vector.broadcast %jit3A : i32 to vector<16xi32>
          %max3A_153 = arith.maxsi %max3A, %sub3A_151 : vector<16xi32>
          %min3A = vector.broadcast %jit3A_152 : i32 to vector<16xi32>
          %min3A_154 = arith.minsi %min3A, %max3A_153 : vector<16xi32>
          %gather3A = tpu.vector_load_idx %arg7[%min3A_154] : memref<25216xf32, #tpu.memory_space<vmem>>[vector<16xi32>], vector<16xf32>,
          %select_n3A = arith.select %and3A_149, %gather3A, %broadcast_in_dim3A_132 : vector<16xi1>, vector<16xf32>
          %mul3A_155 = arith.constant 16 : i32
          %mul3A_156 = arith.muli %scan3A_140, %mul3A_155 : i32
          %swap3A = arith.index_cast %mul3A_156 : i32 to index
          %swap3A_157 = tpu.vector_load %arg8[%swap3A] {strides = array<i32>} : memref<4096xf32, #tpu.memory_space<vmem>>, vector<16xf32>,
          tpu.vector_store %arg8[%swap3A], %select_n3A {strides = array<i32>} : memref<4096xf32, #tpu.memory_space<vmem>>, vector<16xf32>,
          %scan3A_158 = arith.constant 0 : i32
          scf.yield %scan3A_158 : i32
        }
        %scan3A_139 = arith.constant 256 : i32
      } else {
      }
      %mul3A_103 = arith.constant 2 : i32
      %mul3A_104 = arith.muli %mul3A_103, %scan3A_15 : i32
      %add3A_105 = arith.constant 1 : i32
      %add3A_106 = arith.addi %mul3A_104, %add3A_105 : i32
      %eq3A_107 = arith.constant 0 : i32
      %eq3A_108 = arith.cmpi eq, %arg1, %eq3A_107 : i32
      %convert_element_type3A_109 = arith.extui %eq3A_108 : i1 to i32
      %cond3A_110 = arith.constant 0 : i32
      %cond3A_111 = arith.cmpi ne, %convert_element_type3A_109, %cond3A_110 : i32
      scf.if %cond3A_111 {
        %mul3A_132 = arith.constant 13 : i32
        %mul3A_133 = arith.muli %arg0, %mul3A_132 : i32
        %shift_right_arithmetic3A_134 = arith.constant 3 : i32
        %shift_right_arithmetic3A_135 = arith.shrsi %add3A_106, %shift_right_arithmetic3A_134 : i32
        %add3A_136 = arith.addi %mul3A_133, %shift_right_arithmetic3A_135 : i32
        %mul3A_137 = arith.constant 64 : i32
        %mul3A_138 = arith.muli %add3A_136, %mul3A_137 : i32
        %and3A_139 = arith.constant 7 : i32
        %and3A_140 = arith.andi %add3A_106, %and3A_139 : i32
        %mul3A_141 = arith.constant 8 : i32
        %mul3A_142 = arith.muli %and3A_140, %mul3A_141 : i32
        %add3A_143 = arith.addi %mul3A_138, %mul3A_142 : i32
        %multiple_of3A = tpu.assume_multiple %add3A_143, 8 : i32
        %dma_wait3A = arith.constant 49920 : i32
        %dma_wait3A_144 = tpu.memref_slice %arg2[%multiple_of3A, %dma_wait3A] : memref<1664x100000xf32, #tpu.memory_space<hbm>> -> memref<8x50048xf32, #tpu.memory_space<hbm>>
        tpu.wait_dma2 semaphore(%arg16 : memref<!tpu.dma_semaphore, #tpu.memory_space<semaphore_mem>>) src(%dma_wait3A_144 : memref<8x50048xf32, #tpu.memory_space<hbm>>) dst(%arg10 : memref<8x50048xf32, #tpu.memory_space<vmem_shared>>)
        %mul3A_145 = arith.constant 13 : i32
        %mul3A_146 = arith.muli %arg0, %mul3A_145 : i32
        %shift_right_arithmetic3A_147 = arith.constant 3 : i32
        %shift_right_arithmetic3A_148 = arith.shrsi %add3A_106, %shift_right_arithmetic3A_147 : i32
        %add3A_149 = arith.addi %mul3A_146, %shift_right_arithmetic3A_148 : i32
        %mul3A_150 = arith.constant 64 : i32
        %mul3A_151 = arith.muli %add3A_149, %mul3A_150 : i32
        %and3A_152 = arith.constant 7 : i32
        %and3A_153 = arith.andi %add3A_106, %and3A_152 : i32
        %mul3A_154 = arith.constant 8 : i32
        %mul3A_155 = arith.muli %and3A_153, %mul3A_154 : i32
        %add3A_156 = arith.addi %mul3A_151, %mul3A_155 : i32
        %multiple_of3A_157 = tpu.assume_multiple %add3A_156, 8 : i32
        %dma_wait3A_158 = arith.constant 0 : i32
        %dma_wait3A_159 = tpu.memref_slice %arg3[%multiple_of3A_157, %dma_wait3A_158] : memref<1664x128xf32, #tpu.memory_space<hbm>> -> memref<8x128xf32, #tpu.memory_space<hbm>>
        tpu.wait_dma2 semaphore(%arg18 : memref<!tpu.dma_semaphore, #tpu.memory_space<semaphore_mem>>) src(%dma_wait3A_159 : memref<8x128xf32, #tpu.memory_space<hbm>>) dst(%arg12 : memref<8x128xf32, #tpu.memory_space<vmem_shared>>)
      } else {
      }
      %barrier3A_112 = arith.constant 0 : index
      tpu.barrier barrier_id(%barrier3A_112)
      %eq3A_113 = arith.constant 0 : i32
      %eq3A_114 = arith.cmpi eq, %arg1, %eq3A_113 : i32
      %convert_element_type3A_115 = arith.extui %eq3A_114 : i1 to i32
      %cond3A_116 = arith.constant 0 : i32
      %cond3A_117 = arith.cmpi ne, %convert_element_type3A_115, %cond3A_116 : i32
      scf.if %cond3A_117 {
        %add3A_132 = arith.constant 1 : i32
        %add3A_133 = arith.addi %add3A_106, %add3A_132 : i32
        %lt3A = arith.constant 104 : i32
        %lt3A_134 = arith.cmpi slt, %add3A_133, %lt3A : i32
        %convert_element_type3A_135 = arith.extui %lt3A_134 : i1 to i32
        %cond3A_136 = arith.constant 0 : i32
        %cond3A_137 = arith.cmpi ne, %convert_element_type3A_135, %cond3A_136 : i32
        scf.if %cond3A_137 {
          %add3A_138 = arith.constant 1 : i32
          %add3A_139 = arith.addi %add3A_106, %add3A_138 : i32
          %mul3A_140 = arith.constant 13 : i32
          %mul3A_141 = arith.muli %arg0, %mul3A_140 : i32
          %shift_right_arithmetic3A_142 = arith.constant 3 : i32
          %shift_right_arithmetic3A_143 = arith.shrsi %add3A_139, %shift_right_arithmetic3A_142 : i32
          %add3A_144 = arith.addi %mul3A_141, %shift_right_arithmetic3A_143 : i32
          %mul3A_145 = arith.constant 64 : i32
          %mul3A_146 = arith.muli %add3A_144, %mul3A_145 : i32
          %and3A_147 = arith.constant 7 : i32
          %and3A_148 = arith.andi %add3A_139, %and3A_147 : i32
          %mul3A_149 = arith.constant 8 : i32
          %mul3A_150 = arith.muli %and3A_148, %mul3A_149 : i32
          %add3A_151 = arith.addi %mul3A_146, %mul3A_150 : i32
          %multiple_of3A = tpu.assume_multiple %add3A_151, 8 : i32
          %dma_start3A = arith.constant 0 : i32
          %dma_start3A_152 = tpu.memref_slice %arg2[%multiple_of3A, %dma_start3A] : memref<1664x100000xf32, #tpu.memory_space<hbm>> -> memref<8x49920xf32, #tpu.memory_space<hbm>>
          tpu.enqueue_dma source(%dma_start3A_152 : memref<8x49920xf32, #tpu.memory_space<hbm>>) target(%arg9 : memref<8x49920xf32, #tpu.memory_space<vmem_shared>>) target_semaphore(%arg15 : memref<!tpu.dma_semaphore, #tpu.memory_space<semaphore_mem>>)
          %add3A_153 = arith.constant 1 : i32
          %add3A_154 = arith.addi %add3A_106, %add3A_153 : i32
          %mul3A_155 = arith.constant 13 : i32
          %mul3A_156 = arith.muli %arg0, %mul3A_155 : i32
          %shift_right_arithmetic3A_157 = arith.constant 3 : i32
          %shift_right_arithmetic3A_158 = arith.shrsi %add3A_154, %shift_right_arithmetic3A_157 : i32
          %add3A_159 = arith.addi %mul3A_156, %shift_right_arithmetic3A_158 : i32
          %mul3A_160 = arith.constant 64 : i32
          %mul3A_161 = arith.muli %add3A_159, %mul3A_160 : i32
          %and3A_162 = arith.constant 7 : i32
          %and3A_163 = arith.andi %add3A_154, %and3A_162 : i32
          %mul3A_164 = arith.constant 8 : i32
          %mul3A_165 = arith.muli %and3A_163, %mul3A_164 : i32
          %add3A_166 = arith.addi %mul3A_161, %mul3A_165 : i32
          %multiple_of3A_167 = tpu.assume_multiple %add3A_166, 8 : i32
          %dma_start3A_168 = arith.constant 0 : i32
          %dma_start3A_169 = tpu.memref_slice %arg3[%multiple_of3A_167, %dma_start3A_168] : memref<1664x128xf32, #tpu.memory_space<hbm>> -> memref<8x128xf32, #tpu.memory_space<hbm>>
          tpu.enqueue_dma source(%dma_start3A_169 : memref<8x128xf32, #tpu.memory_space<hbm>>) target(%arg11 : memref<8x128xf32, #tpu.memory_space<vmem_shared>>) target_semaphore(%arg17 : memref<!tpu.dma_semaphore, #tpu.memory_space<semaphore_mem>>)
        } else {
        }
      } else {
      }
      %eq3A_118 = arith.constant 0 : i32
      %eq3A_119 = arith.cmpi eq, %shift_right_arithmetic3A_1, %eq3A_118 : i32
      %convert_element_type3A_120 = arith.extui %eq3A_119 : i1 to i32
      %cond3A_121 = arith.constant 0 : i32
      %cond3A_122 = arith.cmpi ne, %convert_element_type3A_120, %cond3A_121 : i32
      scf.if %cond3A_122 {
        "tpu.region"() ({
          %run_scoped3A = tpu.sem_alloc : memref<!tpu.dma_semaphore, #tpu.memory_space<semaphore_mem>>
          %dma_start3A = arith.constant 0 : i32
          %dma_start3A_140 = tpu.memref_slice %arg7[%dma_start3A] : memref<25216xf32, #tpu.memory_space<vmem>> -> memref<24960xf32, #tpu.memory_space<vmem>>
          %dma_start3A_141 = arith.constant 0 : i32
          %dma_start3A_142 = tpu.memref_slice %arg10[%and3A_0, %dma_start3A_141] : memref<8x50048xf32, #tpu.memory_space<vmem_shared>> -> memref<1x24960xf32, #tpu.memory_space<vmem_shared>>
          %dma_start3A_143 = tpu.memref_squeeze %dma_start3A_142 : memref<1x24960xf32, #tpu.memory_space<vmem_shared>> -> memref<24960xf32, #tpu.memory_space<vmem_shared>>
          %dma_start3A_144 = arith.constant 0 : i32
          %dma_start3A_145 = tpu.memref_slice %arg7[%dma_start3A_144] : memref<25216xf32, #tpu.memory_space<vmem>> -> memref<24960xf32, #tpu.memory_space<vmem>>
          %dma_start3A_146 = arith.constant 0 : i32
          %dma_start3A_147 = tpu.memref_slice %arg10[%and3A_0, %dma_start3A_146] : memref<8x50048xf32, #tpu.memory_space<vmem_shared>> -> memref<1x24960xf32, #tpu.memory_space<vmem_shared>>
          %dma_start3A_148 = tpu.memref_squeeze %dma_start3A_147 : memref<1x24960xf32, #tpu.memory_space<vmem_shared>> -> memref<24960xf32, #tpu.memory_space<vmem_shared>>
          tpu.enqueue_dma source(%dma_start3A_148 : memref<24960xf32, #tpu.memory_space<vmem_shared>>) target(%dma_start3A_145 : memref<24960xf32, #tpu.memory_space<vmem>>) target_semaphore(%run_scoped3A : memref<!tpu.dma_semaphore, #tpu.memory_space<semaphore_mem>>)
          %dma_wait3A = arith.constant 0 : i32
          %dma_wait3A_149 = tpu.memref_slice %arg7[%dma_wait3A] : memref<25216xf32, #tpu.memory_space<vmem>> -> memref<24960xf32, #tpu.memory_space<vmem>>
          %dma_wait3A_150 = arith.constant 0 : i32
          %dma_wait3A_151 = tpu.memref_slice %arg10[%and3A_0, %dma_wait3A_150] : memref<8x50048xf32, #tpu.memory_space<vmem_shared>> -> memref<1x24960xf32, #tpu.memory_space<vmem_shared>>
          %dma_wait3A_152 = tpu.memref_squeeze %dma_wait3A_151 : memref<1x24960xf32, #tpu.memory_space<vmem_shared>> -> memref<24960xf32, #tpu.memory_space<vmem_shared>>
          %dma_wait3A_153 = arith.constant 0 : i32
          %dma_wait3A_154 = tpu.memref_slice %arg7[%dma_wait3A_153] : memref<25216xf32, #tpu.memory_space<vmem>> -> memref<24960xf32, #tpu.memory_space<vmem>>
          %dma_wait3A_155 = arith.constant 0 : i32
          %dma_wait3A_156 = tpu.memref_slice %arg10[%and3A_0, %dma_wait3A_155] : memref<8x50048xf32, #tpu.memory_space<vmem_shared>> -> memref<1x24960xf32, #tpu.memory_space<vmem_shared>>
          %dma_wait3A_157 = tpu.memref_squeeze %dma_wait3A_156 : memref<1x24960xf32, #tpu.memory_space<vmem_shared>> -> memref<24960xf32, #tpu.memory_space<vmem_shared>>
          tpu.wait_dma2 semaphore(%run_scoped3A : memref<!tpu.dma_semaphore, #tpu.memory_space<semaphore_mem>>) src(%dma_wait3A_157 : memref<24960xf32, #tpu.memory_space<vmem_shared>>) dst(%dma_wait3A_154 : memref<24960xf32, #tpu.memory_space<vmem>>)
          tpu.yield
        }) : () -> ()
        %broadcast_in_dim3A = arith.constant 0.000000e+00 : f32
        %broadcast_in_dim3A_132 = vector.broadcast %broadcast_in_dim3A : f32 to vector<16xf32>
        %scan3A_133 = arith.constant 0 : i32
        %scan3A_134 = arith.constant 0 : i32
        %scan3A_135 = arith.constant 256 : i32
        %scan3A_136 = arith.addi %scan3A_134, %scan3A_135 : i32
        %scan3A_137 = arith.constant 1 : i32
        %scan3A_138 = scf.for %scan3A_140 = %scan3A_134 to %scan3A_136 step %scan3A_137 iter_args(%scan3A_141 = %scan3A_133) -> (i32)  : i32 {
          %mul3A_142 = arith.constant 16 : i32
          %mul3A_143 = arith.muli %scan3A_140, %mul3A_142 : i32
          %get3A = arith.index_cast %mul3A_143 : i32 to index
          %get3A_144 = tpu.vector_load %arg6[%get3A] {strides = array<i32>} : memref<4096xi32, #tpu.memory_space<vmem>>, vector<16xi32>,
          %ge3A = arith.constant 49920 : i32
          %ge3A_145 = vector.broadcast %ge3A : i32 to vector<16xi32>
          %ge3A_146 = arith.cmpi sge, %get3A_144, %ge3A_145 : vector<16xi32>
          %lt3A = arith.constant 74880 : i32
          %lt3A_147 = vector.broadcast %lt3A : i32 to vector<16xi32>
          %lt3A_148 = arith.cmpi slt, %get3A_144, %lt3A_147 : vector<16xi32>
          %and3A_149 = arith.andi %ge3A_146, %lt3A_148 : vector<16xi1>
          %sub3A = arith.constant 49920 : i32
          %sub3A_150 = vector.broadcast %sub3A : i32 to vector<16xi32>
          %sub3A_151 = arith.subi %get3A_144, %sub3A_150 : vector<16xi32>
          %jit3A = arith.constant 0 : i32
          %jit3A_152 = arith.constant 24959 : i32
          %max3A = vector.broadcast %jit3A : i32 to vector<16xi32>
          %max3A_153 = arith.maxsi %max3A, %sub3A_151 : vector<16xi32>
          %min3A = vector.broadcast %jit3A_152 : i32 to vector<16xi32>
          %min3A_154 = arith.minsi %min3A, %max3A_153 : vector<16xi32>
          %gather3A = tpu.vector_load_idx %arg7[%min3A_154] : memref<25216xf32, #tpu.memory_space<vmem>>[vector<16xi32>], vector<16xf32>,
          %mul3A_155 = arith.constant 16 : i32
          %mul3A_156 = arith.muli %scan3A_140, %mul3A_155 : i32
          %get3A_157 = arith.index_cast %mul3A_156 : i32 to index
          %get3A_158 = tpu.vector_load %arg8[%get3A_157] {strides = array<i32>} : memref<4096xf32, #tpu.memory_space<vmem>>, vector<16xf32>,
          %select_n3A = arith.select %and3A_149, %gather3A, %get3A_158 : vector<16xi1>, vector<16xf32>
          %mul3A_159 = arith.constant 16 : i32
          %mul3A_160 = arith.muli %scan3A_140, %mul3A_159 : i32
          %swap3A = arith.index_cast %mul3A_160 : i32 to index
          %swap3A_161 = tpu.vector_load %arg8[%swap3A] {strides = array<i32>} : memref<4096xf32, #tpu.memory_space<vmem>>, vector<16xf32>,
          tpu.vector_store %arg8[%swap3A], %select_n3A {strides = array<i32>} : memref<4096xf32, #tpu.memory_space<vmem>>, vector<16xf32>,
          %scan3A_162 = arith.constant 0 : i32
          scf.yield %scan3A_162 : i32
        }
        %scan3A_139 = arith.constant 256 : i32
      } else {
      }
      %eq3A_123 = arith.constant 1 : i32
      %eq3A_124 = arith.cmpi eq, %shift_right_arithmetic3A_1, %eq3A_123 : i32
      %convert_element_type3A_125 = arith.extui %eq3A_124 : i1 to i32
      %cond3A_126 = arith.constant 0 : i32
      %cond3A_127 = arith.cmpi ne, %convert_element_type3A_125, %cond3A_126 : i32
      scf.if %cond3A_127 {
        "tpu.region"() ({
          %run_scoped3A = tpu.sem_alloc : memref<!tpu.dma_semaphore, #tpu.memory_space<semaphore_mem>>
          %dma_start3A = arith.constant 0 : i32
          %dma_start3A_140 = tpu.memref_slice %arg7[%dma_start3A] : memref<25216xf32, #tpu.memory_space<vmem>> -> memref<25088xf32, #tpu.memory_space<vmem>>
          %dma_start3A_141 = arith.constant 24960 : i32
          %dma_start3A_142 = tpu.memref_slice %arg10[%and3A_0, %dma_start3A_141] : memref<8x50048xf32, #tpu.memory_space<vmem_shared>> -> memref<1x25088xf32, #tpu.memory_space<vmem_shared>>
          %dma_start3A_143 = tpu.memref_squeeze %dma_start3A_142 : memref<1x25088xf32, #tpu.memory_space<vmem_shared>> -> memref<25088xf32, #tpu.memory_space<vmem_shared>>
          %dma_start3A_144 = arith.constant 0 : i32
          %dma_start3A_145 = tpu.memref_slice %arg7[%dma_start3A_144] : memref<25216xf32, #tpu.memory_space<vmem>> -> memref<25088xf32, #tpu.memory_space<vmem>>
          %dma_start3A_146 = arith.constant 24960 : i32
          %dma_start3A_147 = tpu.memref_slice %arg10[%and3A_0, %dma_start3A_146] : memref<8x50048xf32, #tpu.memory_space<vmem_shared>> -> memref<1x25088xf32, #tpu.memory_space<vmem_shared>>
          %dma_start3A_148 = tpu.memref_squeeze %dma_start3A_147 : memref<1x25088xf32, #tpu.memory_space<vmem_shared>> -> memref<25088xf32, #tpu.memory_space<vmem_shared>>
          tpu.enqueue_dma source(%dma_start3A_148 : memref<25088xf32, #tpu.memory_space<vmem_shared>>) target(%dma_start3A_145 : memref<25088xf32, #tpu.memory_space<vmem>>) target_semaphore(%run_scoped3A : memref<!tpu.dma_semaphore, #tpu.memory_space<semaphore_mem>>)
          %dma_wait3A = arith.constant 0 : i32
          %dma_wait3A_149 = tpu.memref_slice %arg7[%dma_wait3A] : memref<25216xf32, #tpu.memory_space<vmem>> -> memref<25088xf32, #tpu.memory_space<vmem>>
          %dma_wait3A_150 = arith.constant 24960 : i32
          %dma_wait3A_151 = tpu.memref_slice %arg10[%and3A_0, %dma_wait3A_150] : memref<8x50048xf32, #tpu.memory_space<vmem_shared>> -> memref<1x25088xf32, #tpu.memory_space<vmem_shared>>
          %dma_wait3A_152 = tpu.memref_squeeze %dma_wait3A_151 : memref<1x25088xf32, #tpu.memory_space<vmem_shared>> -> memref<25088xf32, #tpu.memory_space<vmem_shared>>
          %dma_wait3A_153 = arith.constant 0 : i32
          %dma_wait3A_154 = tpu.memref_slice %arg7[%dma_wait3A_153] : memref<25216xf32, #tpu.memory_space<vmem>> -> memref<25088xf32, #tpu.memory_space<vmem>>
          %dma_wait3A_155 = arith.constant 24960 : i32
          %dma_wait3A_156 = tpu.memref_slice %arg10[%and3A_0, %dma_wait3A_155] : memref<8x50048xf32, #tpu.memory_space<vmem_shared>> -> memref<1x25088xf32, #tpu.memory_space<vmem_shared>>
          %dma_wait3A_157 = tpu.memref_squeeze %dma_wait3A_156 : memref<1x25088xf32, #tpu.memory_space<vmem_shared>> -> memref<25088xf32, #tpu.memory_space<vmem_shared>>
          tpu.wait_dma2 semaphore(%run_scoped3A : memref<!tpu.dma_semaphore, #tpu.memory_space<semaphore_mem>>) src(%dma_wait3A_157 : memref<25088xf32, #tpu.memory_space<vmem_shared>>) dst(%dma_wait3A_154 : memref<25088xf32, #tpu.memory_space<vmem>>)
          tpu.yield
        }) : () -> ()
        "tpu.region"() ({
          %run_scoped3A = tpu.sem_alloc : memref<!tpu.dma_semaphore, #tpu.memory_space<semaphore_mem>>
          %dma_start3A = arith.constant 25088 : i32
          %dma_start3A_140 = tpu.memref_slice %arg7[%dma_start3A] : memref<25216xf32, #tpu.memory_space<vmem>> -> memref<128xf32, #tpu.memory_space<vmem>>
          %dma_start3A_141 = arith.constant 0 : i32
          %dma_start3A_142 = tpu.memref_slice %arg12[%and3A_0, %dma_start3A_141] : memref<8x128xf32, #tpu.memory_space<vmem_shared>> -> memref<1x128xf32, #tpu.memory_space<vmem_shared>>
          %dma_start3A_143 = tpu.memref_squeeze %dma_start3A_142 : memref<1x128xf32, #tpu.memory_space<vmem_shared>> -> memref<128xf32, #tpu.memory_space<vmem_shared>>
          %dma_start3A_144 = arith.constant 25088 : i32
          %dma_start3A_145 = tpu.memref_slice %arg7[%dma_start3A_144] : memref<25216xf32, #tpu.memory_space<vmem>> -> memref<128xf32, #tpu.memory_space<vmem>>
          %dma_start3A_146 = arith.constant 0 : i32
          %dma_start3A_147 = tpu.memref_slice %arg12[%and3A_0, %dma_start3A_146] : memref<8x128xf32, #tpu.memory_space<vmem_shared>> -> memref<1x128xf32, #tpu.memory_space<vmem_shared>>
          %dma_start3A_148 = tpu.memref_squeeze %dma_start3A_147 : memref<1x128xf32, #tpu.memory_space<vmem_shared>> -> memref<128xf32, #tpu.memory_space<vmem_shared>>
          tpu.enqueue_dma source(%dma_start3A_148 : memref<128xf32, #tpu.memory_space<vmem_shared>>) target(%dma_start3A_145 : memref<128xf32, #tpu.memory_space<vmem>>) target_semaphore(%run_scoped3A : memref<!tpu.dma_semaphore, #tpu.memory_space<semaphore_mem>>)
          %dma_wait3A = arith.constant 25088 : i32
          %dma_wait3A_149 = tpu.memref_slice %arg7[%dma_wait3A] : memref<25216xf32, #tpu.memory_space<vmem>> -> memref<128xf32, #tpu.memory_space<vmem>>
          %dma_wait3A_150 = arith.constant 0 : i32
          %dma_wait3A_151 = tpu.memref_slice %arg12[%and3A_0, %dma_wait3A_150] : memref<8x128xf32, #tpu.memory_space<vmem_shared>> -> memref<1x128xf32, #tpu.memory_space<vmem_shared>>
          %dma_wait3A_152 = tpu.memref_squeeze %dma_wait3A_151 : memref<1x128xf32, #tpu.memory_space<vmem_shared>> -> memref<128xf32, #tpu.memory_space<vmem_shared>>
          %dma_wait3A_153 = arith.constant 25088 : i32
          %dma_wait3A_154 = tpu.memref_slice %arg7[%dma_wait3A_153] : memref<25216xf32, #tpu.memory_space<vmem>> -> memref<128xf32, #tpu.memory_space<vmem>>
          %dma_wait3A_155 = arith.constant 0 : i32
          %dma_wait3A_156 = tpu.memref_slice %arg12[%and3A_0, %dma_wait3A_155] : memref<8x128xf32, #tpu.memory_space<vmem_shared>> -> memref<1x128xf32, #tpu.memory_space<vmem_shared>>
          %dma_wait3A_157 = tpu.memref_squeeze %dma_wait3A_156 : memref<1x128xf32, #tpu.memory_space<vmem_shared>> -> memref<128xf32, #tpu.memory_space<vmem_shared>>
          tpu.wait_dma2 semaphore(%run_scoped3A : memref<!tpu.dma_semaphore, #tpu.memory_space<semaphore_mem>>) src(%dma_wait3A_157 : memref<128xf32, #tpu.memory_space<vmem_shared>>) dst(%dma_wait3A_154 : memref<128xf32, #tpu.memory_space<vmem>>)
          tpu.yield
        }) : () -> ()
        %broadcast_in_dim3A = arith.constant 0.000000e+00 : f32
        %broadcast_in_dim3A_132 = vector.broadcast %broadcast_in_dim3A : f32 to vector<16xf32>
        %scan3A_133 = arith.constant 0 : i32
        %scan3A_134 = arith.constant 0 : i32
        %scan3A_135 = arith.constant 256 : i32
        %scan3A_136 = arith.addi %scan3A_134, %scan3A_135 : i32
        %scan3A_137 = arith.constant 1 : i32
        %scan3A_138 = scf.for %scan3A_140 = %scan3A_134 to %scan3A_136 step %scan3A_137 iter_args(%scan3A_141 = %scan3A_133) -> (i32)  : i32 {
          %mul3A_142 = arith.constant 16 : i32
          %mul3A_143 = arith.muli %scan3A_140, %mul3A_142 : i32
          %get3A = arith.index_cast %mul3A_143 : i32 to index
          %get3A_144 = tpu.vector_load %arg6[%get3A] {strides = array<i32>} : memref<4096xi32, #tpu.memory_space<vmem>>, vector<16xi32>,
          %ge3A = arith.constant 74880 : i32
          %ge3A_145 = vector.broadcast %ge3A : i32 to vector<16xi32>
          %ge3A_146 = arith.cmpi sge, %get3A_144, %ge3A_145 : vector<16xi32>
          %sub3A = arith.constant 74880 : i32
          %sub3A_147 = vector.broadcast %sub3A : i32 to vector<16xi32>
          %sub3A_148 = arith.subi %get3A_144, %sub3A_147 : vector<16xi32>
          %jit3A = arith.constant 0 : i32
          %jit3A_149 = arith.constant 25215 : i32
          %max3A = vector.broadcast %jit3A : i32 to vector<16xi32>
          %max3A_150 = arith.maxsi %max3A, %sub3A_148 : vector<16xi32>
          %min3A = vector.broadcast %jit3A_149 : i32 to vector<16xi32>
          %min3A_151 = arith.minsi %min3A, %max3A_150 : vector<16xi32>
          %gather3A = tpu.vector_load_idx %arg7[%min3A_151] : memref<25216xf32, #tpu.memory_space<vmem>>[vector<16xi32>], vector<16xf32>,
          %mul3A_152 = arith.constant 16 : i32
          %mul3A_153 = arith.muli %scan3A_140, %mul3A_152 : i32
          %get3A_154 = arith.index_cast %mul3A_153 : i32 to index
          %get3A_155 = tpu.vector_load %arg8[%get3A_154] {strides = array<i32>} : memref<4096xf32, #tpu.memory_space<vmem>>, vector<16xf32>,
          %select_n3A = arith.select %ge3A_146, %gather3A, %get3A_155 : vector<16xi1>, vector<16xf32>
          %mul3A_156 = arith.constant 16 : i32
          %mul3A_157 = arith.muli %scan3A_140, %mul3A_156 : i32
          %swap3A = arith.index_cast %mul3A_157 : i32 to index
          %swap3A_158 = tpu.vector_load %arg8[%swap3A] {strides = array<i32>} : memref<4096xf32, #tpu.memory_space<vmem>>, vector<16xf32>,
          tpu.vector_store %arg8[%swap3A], %select_n3A {strides = array<i32>} : memref<4096xf32, #tpu.memory_space<vmem>>, vector<16xf32>,
          %scan3A_159 = arith.constant 0 : i32
          scf.yield %scan3A_159 : i32
        }
        %scan3A_139 = arith.constant 256 : i32
      } else {
      }
      %mul3A_128 = arith.constant 2 : i32
      %mul3A_129 = arith.muli %and3A_0, %mul3A_128 : i32
      %add3A_130 = arith.addi %mul3A_129, %shift_right_arithmetic3A_1 : i32
      "tpu.region"() ({
        %run_scoped3A = tpu.sem_alloc : memref<!tpu.dma_semaphore, #tpu.memory_space<semaphore_mem>>
        %dma_start3A = arith.constant 0 : i32
        %dma_start3A_132 = tpu.memref_slice %arg14[%add3A_130, %dma_start3A] : memref<16x4096xf32, #tpu.memory_space<vmem_shared>> -> memref<1x4096xf32, #tpu.memory_space<vmem_shared>>
        %dma_start3A_133 = tpu.memref_squeeze %dma_start3A_132 : memref<1x4096xf32, #tpu.memory_space<vmem_shared>> -> memref<4096xf32, #tpu.memory_space<vmem_shared>>
        %dma_start3A_134 = arith.constant 0 : i32
        %dma_start3A_135 = tpu.memref_slice %arg14[%add3A_130, %dma_start3A_134] : memref<16x4096xf32, #tpu.memory_space<vmem_shared>> -> memref<1x4096xf32, #tpu.memory_space<vmem_shared>>
        %dma_start3A_136 = tpu.memref_squeeze %dma_start3A_135 : memref<1x4096xf32, #tpu.memory_space<vmem_shared>> -> memref<4096xf32, #tpu.memory_space<vmem_shared>>
        tpu.enqueue_dma source(%arg8 : memref<4096xf32, #tpu.memory_space<vmem>>) target(%dma_start3A_136 : memref<4096xf32, #tpu.memory_space<vmem_shared>>) target_semaphore(%run_scoped3A : memref<!tpu.dma_semaphore, #tpu.memory_space<semaphore_mem>>)
        %dma_wait3A = arith.constant 0 : i32
        %dma_wait3A_137 = tpu.memref_slice %arg14[%add3A_130, %dma_wait3A] : memref<16x4096xf32, #tpu.memory_space<vmem_shared>> -> memref<1x4096xf32, #tpu.memory_space<vmem_shared>>
        %dma_wait3A_138 = tpu.memref_squeeze %dma_wait3A_137 : memref<1x4096xf32, #tpu.memory_space<vmem_shared>> -> memref<4096xf32, #tpu.memory_space<vmem_shared>>
        %dma_wait3A_139 = arith.constant 0 : i32
        %dma_wait3A_140 = tpu.memref_slice %arg14[%add3A_130, %dma_wait3A_139] : memref<16x4096xf32, #tpu.memory_space<vmem_shared>> -> memref<1x4096xf32, #tpu.memory_space<vmem_shared>>
        %dma_wait3A_141 = tpu.memref_squeeze %dma_wait3A_140 : memref<1x4096xf32, #tpu.memory_space<vmem_shared>> -> memref<4096xf32, #tpu.memory_space<vmem_shared>>
        tpu.wait_dma2 semaphore(%run_scoped3A : memref<!tpu.dma_semaphore, #tpu.memory_space<semaphore_mem>>) src(%arg8 : memref<4096xf32, #tpu.memory_space<vmem>>) dst(%dma_wait3A_141 : memref<4096xf32, #tpu.memory_space<vmem_shared>>)
        tpu.yield
      }) : () -> ()
      %scan3A_131 = arith.constant 0 : i32
      scf.yield %scan3A_131 : i32
    }
    %scan3A_9 = arith.constant 52 : i32
    %barrier3A = arith.constant 0 : index
    tpu.barrier barrier_id(%barrier3A)
    %eq3A_10 = arith.constant 0 : i32
    %eq3A_11 = arith.cmpi eq, %arg1, %eq3A_10 : i32
    %convert_element_type3A_12 = arith.extui %eq3A_11 : i1 to i32
    %cond3A_13 = arith.constant 0 : i32
    %cond3A_14 = arith.cmpi ne, %convert_element_type3A_12, %cond3A_13 : i32
    scf.if %cond3A_14 {
      %mul3A = arith.constant 104 : i32
      %mul3A_15 = arith.muli %arg0, %mul3A : i32
      %add3A = arith.constant 104 : i32
      %add3A_16 = arith.addi %mul3A_15, %add3A : i32
      %sub3A = arith.constant 1 : i32
      %sub3A_17 = arith.subi %add3A_16, %sub3A : i32
      "tpu.region"() ({
        %run_scoped3A = tpu.sem_alloc : memref<!tpu.dma_semaphore, #tpu.memory_space<semaphore_mem>>
        %dma_start3A = arith.constant 0 : i32
        %dma_start3A_18 = arith.constant 0 : i32
        %dma_start3A_19 = tpu.memref_slice %arg5[%sub3A_17, %dma_start3A, %dma_start3A_18] : memref<208x16x4096xf32, #tpu.memory_space<hbm>> -> memref<1x16x4096xf32, #tpu.memory_space<hbm>>
        %dma_start3A_20 = tpu.memref_squeeze %dma_start3A_19 : memref<1x16x4096xf32, #tpu.memory_space<hbm>> -> memref<16x4096xf32, #tpu.memory_space<hbm>>
        tpu.enqueue_dma source(%arg14 : memref<16x4096xf32, #tpu.memory_space<vmem_shared>>) target(%dma_start3A_20 : memref<16x4096xf32, #tpu.memory_space<hbm>>) target_semaphore(%run_scoped3A : memref<!tpu.dma_semaphore, #tpu.memory_space<semaphore_mem>>)
        %dma_wait3A = arith.constant 0 : i32
        %dma_wait3A_21 = arith.constant 0 : i32
        %dma_wait3A_22 = tpu.memref_slice %arg5[%sub3A_17, %dma_wait3A, %dma_wait3A_21] : memref<208x16x4096xf32, #tpu.memory_space<hbm>> -> memref<1x16x4096xf32, #tpu.memory_space<hbm>>
        %dma_wait3A_23 = tpu.memref_squeeze %dma_wait3A_22 : memref<1x16x4096xf32, #tpu.memory_space<hbm>> -> memref<16x4096xf32, #tpu.memory_space<hbm>>
        tpu.wait_dma2 semaphore(%run_scoped3A : memref<!tpu.dma_semaphore, #tpu.memory_space<semaphore_mem>>) src(%arg14 : memref<16x4096xf32, #tpu.memory_space<vmem_shared>>) dst(%dma_wait3A_23 : memref<16x4096xf32, #tpu.memory_space<hbm>>)
        tpu.yield
      }) : () -> ()
    } else {
    }
    return
  }
}

module attributes {stable_mosaic.version = 14 : i64} {
  func.func @_mlp_body(%arg0: i32, %arg1: memref<13x512xf32, #tpu.memory_space<vmem>>, %arg2: memref<3328x512xf32, #tpu.memory_space<vmem>>, %arg3: memref<64x13xf32, #tpu.memory_space<vmem>>, %arg4: memref<64x1xf32, #tpu.memory_space<vmem>>, %arg5: memref<512x64xf32, #tpu.memory_space<vmem>>, %arg6: memref<512x3328xf32, #tpu.memory_space<vmem>>, %arg7: memref<512x1xf32, #tpu.memory_space<vmem>>, %arg8: memref<256x512xf32, #tpu.memory_space<vmem>>, %arg9: memref<256x1xf32, #tpu.memory_space<vmem>>, %arg10: memref<128x256xf32, #tpu.memory_space<vmem>>, %arg11: memref<128x1xf32, #tpu.memory_space<vmem>>, %arg12: memref<1x128xf32, #tpu.memory_space<vmem>>, %arg13: memref<1x1xf32, #tpu.memory_space<vmem>>, %arg14: memref<1x512xf32, #tpu.memory_space<vmem>>) attributes {dimension_semantics = [#tpu.dimension_semantics<arbitrary>], iteration_bounds = array<i64: 8>, scalar_prefetch = 0 : i64, scratch_operands = 0 : i64, tpu.core_type = #tpu.core_type<tc>, window_params = [{transform_indices = @transform_0, window_bounds = array<i64: 13, 512>}, {transform_indices = @transform_1, window_bounds = array<i64: 3328, 512>}, {pipeline_mode = #tpu.pipeline_mode<synchronous>, transform_indices = @transform_2, window_bounds = array<i64: 64, 13>}, {pipeline_mode = #tpu.pipeline_mode<synchronous>, transform_indices = @transform_3, window_bounds = array<i64: 64, 1>}, {pipeline_mode = #tpu.pipeline_mode<synchronous>, transform_indices = @transform_4, window_bounds = array<i64: 512, 64>}, {pipeline_mode = #tpu.pipeline_mode<synchronous>, transform_indices = @transform_5, window_bounds = array<i64: 512, 3328>}, {pipeline_mode = #tpu.pipeline_mode<synchronous>, transform_indices = @transform_6, window_bounds = array<i64: 512, 1>}, {pipeline_mode = #tpu.pipeline_mode<synchronous>, transform_indices = @transform_7, window_bounds = array<i64: 256, 512>}, {pipeline_mode = #tpu.pipeline_mode<synchronous>, transform_indices = @transform_8, window_bounds = array<i64: 256, 1>}, {pipeline_mode = #tpu.pipeline_mode<synchronous>, transform_indices = @transform_9, window_bounds = array<i64: 128, 256>}, {pipeline_mode = #tpu.pipeline_mode<synchronous>, transform_indices = @transform_10, window_bounds = array<i64: 128, 1>}, {pipeline_mode = #tpu.pipeline_mode<synchronous>, transform_indices = @transform_11, window_bounds = array<i64: 1, 128>}, {pipeline_mode = #tpu.pipeline_mode<synchronous>, transform_indices = @transform_12, window_bounds = array<i64: 1, 1>}, {transform_indices = @transform_13, window_bounds = array<i64: 1, 512>}]} {
    %get3A = arith.constant 0 : index
    %get3A_0 = arith.constant 0 : index
    %get3A_1 = vector.load %arg3[%get3A, %get3A_0] : memref<64x13xf32, #tpu.memory_space<vmem>>, vector<64x13xf32>
    %get3A_2 = arith.constant 0 : index
    %get3A_3 = arith.constant 0 : index
    %get3A_4 = vector.load %arg1[%get3A_2, %get3A_3] : memref<13x512xf32, #tpu.memory_space<vmem>>, vector<13x512xf32>
    %dot_general3A = arith.constant dense<0.000000e+00> : vector<64x512xf32>
    %dot_general3A_5 = tpu.matmul %get3A_1, %get3A_4, %dot_general3A {dimension_numbers = #tpu.dot_dimension_numbers<[1], [0], [0], [1], [0, 0, 1, 1], [], []>, transpose_lhs_hint = false} : vector<64x13xf32>, vector<13x512xf32>, vector<64x512xf32> -> vector<64x512xf32>
    %get3A_6 = arith.constant 0 : index
    %get3A_7 = arith.constant 0 : index
    %get3A_8 = vector.load %arg4[%get3A_6, %get3A_7] : memref<64x1xf32, #tpu.memory_space<vmem>>, vector<64x1xf32>
    %add3A = vector.broadcast %get3A_8 : vector<64x1xf32> to vector<64x512xf32>
    %add3A_9 = arith.addf %dot_general3A_5, %add3A : vector<64x512xf32>
    %get3A_10 = arith.constant 0 : index
    %get3A_11 = arith.constant 0 : index
    %get3A_12 = vector.load %arg5[%get3A_10, %get3A_11] : memref<512x64xf32, #tpu.memory_space<vmem>>, vector<512x64xf32>
    %dot_general3A_13 = arith.constant dense<0.000000e+00> : vector<512x512xf32>
    %dot_general3A_14 = tpu.matmul %get3A_12, %add3A_9, %dot_general3A_13 {dimension_numbers = #tpu.dot_dimension_numbers<[1], [0], [0], [1], [0, 0, 1, 1], [], []>, transpose_lhs_hint = false} : vector<512x64xf32>, vector<64x512xf32>, vector<512x512xf32> -> vector<512x512xf32>
    %get3A_15 = arith.constant 0 : index
    %get3A_16 = arith.constant 0 : index
    %get3A_17 = vector.load %arg6[%get3A_15, %get3A_16] : memref<512x3328xf32, #tpu.memory_space<vmem>>, vector<512x3328xf32>
    %get3A_18 = arith.constant 0 : index
    %get3A_19 = arith.constant 0 : index
    %get3A_20 = vector.load %arg2[%get3A_18, %get3A_19] : memref<3328x512xf32, #tpu.memory_space<vmem>>, vector<3328x512xf32>
    %dot_general3A_21 = arith.constant dense<0.000000e+00> : vector<512x512xf32>
    %dot_general3A_22 = tpu.matmul %get3A_17, %get3A_20, %dot_general3A_21 {dimension_numbers = #tpu.dot_dimension_numbers<[1], [0], [0], [1], [0, 0, 1, 1], [], []>, transpose_lhs_hint = false} : vector<512x3328xf32>, vector<3328x512xf32>, vector<512x512xf32> -> vector<512x512xf32>
    %add3A_23 = arith.addf %dot_general3A_14, %dot_general3A_22 : vector<512x512xf32>
    %get3A_24 = arith.constant 0 : index
    %get3A_25 = arith.constant 0 : index
    %get3A_26 = vector.load %arg7[%get3A_24, %get3A_25] : memref<512x1xf32, #tpu.memory_space<vmem>>, vector<512x1xf32>
    %add3A_27 = vector.broadcast %get3A_26 : vector<512x1xf32> to vector<512x512xf32>
    %add3A_28 = arith.addf %add3A_23, %add3A_27 : vector<512x512xf32>
    %max3A = arith.constant 0.000000e+00 : f32
    %max3A_29 = vector.broadcast %max3A : f32 to vector<512x512xf32>
    %max3A_30 = arith.maximumf %add3A_28, %max3A_29 : vector<512x512xf32>
    %get3A_31 = arith.constant 0 : index
    %get3A_32 = arith.constant 0 : index
    %get3A_33 = vector.load %arg8[%get3A_31, %get3A_32] : memref<256x512xf32, #tpu.memory_space<vmem>>, vector<256x512xf32>
    %dot_general3A_34 = arith.constant dense<0.000000e+00> : vector<256x512xf32>
    %dot_general3A_35 = tpu.matmul %get3A_33, %max3A_30, %dot_general3A_34 {dimension_numbers = #tpu.dot_dimension_numbers<[1], [0], [0], [1], [0, 0, 1, 1], [], []>, transpose_lhs_hint = false} : vector<256x512xf32>, vector<512x512xf32>, vector<256x512xf32> -> vector<256x512xf32>
    %get3A_36 = arith.constant 0 : index
    %get3A_37 = arith.constant 0 : index
    %get3A_38 = vector.load %arg9[%get3A_36, %get3A_37] : memref<256x1xf32, #tpu.memory_space<vmem>>, vector<256x1xf32>
    %add3A_39 = vector.broadcast %get3A_38 : vector<256x1xf32> to vector<256x512xf32>
    %add3A_40 = arith.addf %dot_general3A_35, %add3A_39 : vector<256x512xf32>
    %max3A_41 = arith.constant 0.000000e+00 : f32
    %max3A_42 = vector.broadcast %max3A_41 : f32 to vector<256x512xf32>
    %max3A_43 = arith.maximumf %add3A_40, %max3A_42 : vector<256x512xf32>
    %get3A_44 = arith.constant 0 : index
    %get3A_45 = arith.constant 0 : index
    %get3A_46 = vector.load %arg10[%get3A_44, %get3A_45] : memref<128x256xf32, #tpu.memory_space<vmem>>, vector<128x256xf32>
    %dot_general3A_47 = arith.constant dense<0.000000e+00> : vector<128x512xf32>
    %dot_general3A_48 = tpu.matmul %get3A_46, %max3A_43, %dot_general3A_47 {dimension_numbers = #tpu.dot_dimension_numbers<[1], [0], [0], [1], [0, 0, 1, 1], [], []>, transpose_lhs_hint = false} : vector<128x256xf32>, vector<256x512xf32>, vector<128x512xf32> -> vector<128x512xf32>
    %get3A_49 = arith.constant 0 : index
    %get3A_50 = arith.constant 0 : index
    %get3A_51 = vector.load %arg11[%get3A_49, %get3A_50] : memref<128x1xf32, #tpu.memory_space<vmem>>, vector<128x1xf32>
    %add3A_52 = vector.broadcast %get3A_51 : vector<128x1xf32> to vector<128x512xf32>
    %add3A_53 = arith.addf %dot_general3A_48, %add3A_52 : vector<128x512xf32>
    %max3A_54 = arith.constant 0.000000e+00 : f32
    %max3A_55 = vector.broadcast %max3A_54 : f32 to vector<128x512xf32>
    %max3A_56 = arith.maximumf %add3A_53, %max3A_55 : vector<128x512xf32>
    %get3A_57 = arith.constant 0 : index
    %get3A_58 = arith.constant 0 : index
    %get3A_59 = vector.load %arg12[%get3A_57, %get3A_58] : memref<1x128xf32, #tpu.memory_space<vmem>>, vector<1x128xf32>
    %dot_general3A_60 = arith.constant dense<0.000000e+00> : vector<1x512xf32>
    %dot_general3A_61 = tpu.matmul %get3A_59, %max3A_56, %dot_general3A_60 {dimension_numbers = #tpu.dot_dimension_numbers<[1], [0], [0], [1], [0, 0, 1, 1], [], []>, transpose_lhs_hint = false} : vector<1x128xf32>, vector<128x512xf32>, vector<1x512xf32> -> vector<1x512xf32>
    %get3A_62 = arith.constant 0 : index
    %get3A_63 = arith.constant 0 : index
    %get3A_64 = vector.load %arg13[%get3A_62, %get3A_63] : memref<1x1xf32, #tpu.memory_space<vmem>>, vector<1x1xf32>
    %add3A_65 = vector.broadcast %get3A_64 : vector<1x1xf32> to vector<1x512xf32>
    %add3A_66 = arith.addf %dot_general3A_61, %add3A_65 : vector<1x512xf32>
    %logistic3A = arith.negf %add3A_66 : vector<1x512xf32>
    %logistic3A_67 = math.exp %logistic3A : vector<1x512xf32>
    %logistic3A_68 = arith.constant 1.000000e+00 : f32
    %logistic3A_69 = vector.broadcast %logistic3A_68 : f32 to vector<1x512xf32>
    %logistic3A_70 = arith.addf %logistic3A_69, %logistic3A_67 : vector<1x512xf32>
    %logistic3A_71 = arith.divf %logistic3A_69, %logistic3A_70 : vector<1x512xf32>
    %swap3A = arith.constant 0 : index
    %swap3A_72 = arith.constant 0 : index
    %swap3A_73 = vector.load %arg14[%swap3A, %swap3A_72] : memref<1x512xf32, #tpu.memory_space<vmem>>, vector<1x512xf32>
    tpu.vector_store %arg14[%swap3A, %swap3A_72], %logistic3A_71 {strides = array<i32>} : memref<1x512xf32, #tpu.memory_space<vmem>>, vector<1x512xf32>,
    return
  }
  func.func @transform_0(%arg0: i32) -> (i32, i32) {
    %c0_i32 = arith.constant 0 : i32
    %c0_i32_0 = arith.constant 0 : i32
    return %c0_i32, %arg0 : i32, i32
  }
  func.func @transform_1(%arg0: i32) -> (i32, i32) {
    %c0_i32 = arith.constant 0 : i32
    %c0_i32_0 = arith.constant 0 : i32
    return %c0_i32, %arg0 : i32, i32
  }
  func.func @transform_2(%arg0: i32) -> (i32, i32) {
    %c0_i32 = arith.constant 0 : i32
    %c0_i32_0 = arith.constant 0 : i32
    %c0_i32_1 = arith.constant 0 : i32
    return %c0_i32, %c0_i32_0 : i32, i32
  }
  func.func @transform_3(%arg0: i32) -> (i32, i32) {
    %c0_i32 = arith.constant 0 : i32
    %c0_i32_0 = arith.constant 0 : i32
    %c0_i32_1 = arith.constant 0 : i32
    return %c0_i32, %c0_i32_0 : i32, i32
  }
  func.func @transform_4(%arg0: i32) -> (i32, i32) {
    %c0_i32 = arith.constant 0 : i32
    %c0_i32_0 = arith.constant 0 : i32
    %c0_i32_1 = arith.constant 0 : i32
    return %c0_i32, %c0_i32_0 : i32, i32
  }
  func.func @transform_5(%arg0: i32) -> (i32, i32) {
    %c0_i32 = arith.constant 0 : i32
    %c0_i32_0 = arith.constant 0 : i32
    %c0_i32_1 = arith.constant 0 : i32
    return %c0_i32, %c0_i32_0 : i32, i32
  }
  func.func @transform_6(%arg0: i32) -> (i32, i32) {
    %c0_i32 = arith.constant 0 : i32
    %c0_i32_0 = arith.constant 0 : i32
    %c0_i32_1 = arith.constant 0 : i32
    return %c0_i32, %c0_i32_0 : i32, i32
  }
  func.func @transform_7(%arg0: i32) -> (i32, i32) {
    %c0_i32 = arith.constant 0 : i32
    %c0_i32_0 = arith.constant 0 : i32
    %c0_i32_1 = arith.constant 0 : i32
    return %c0_i32, %c0_i32_0 : i32, i32
  }
  func.func @transform_8(%arg0: i32) -> (i32, i32) {
    %c0_i32 = arith.constant 0 : i32
    %c0_i32_0 = arith.constant 0 : i32
    %c0_i32_1 = arith.constant 0 : i32
    return %c0_i32, %c0_i32_0 : i32, i32
  }
  func.func @transform_9(%arg0: i32) -> (i32, i32) {
    %c0_i32 = arith.constant 0 : i32
    %c0_i32_0 = arith.constant 0 : i32
    %c0_i32_1 = arith.constant 0 : i32
    return %c0_i32, %c0_i32_0 : i32, i32
  }
  func.func @transform_10(%arg0: i32) -> (i32, i32) {
    %c0_i32 = arith.constant 0 : i32
    %c0_i32_0 = arith.constant 0 : i32
    %c0_i32_1 = arith.constant 0 : i32
    return %c0_i32, %c0_i32_0 : i32, i32
  }
  func.func @transform_11(%arg0: i32) -> (i32, i32) {
    %c0_i32 = arith.constant 0 : i32
    %c0_i32_0 = arith.constant 0 : i32
    %c0_i32_1 = arith.constant 0 : i32
    return %c0_i32, %c0_i32_0 : i32, i32
  }
  func.func @transform_12(%arg0: i32) -> (i32, i32) {
    %c0_i32 = arith.constant 0 : i32
    %c0_i32_0 = arith.constant 0 : i32
    %c0_i32_1 = arith.constant 0 : i32
    return %c0_i32, %c0_i32_0 : i32, i32
  }
  func.func @transform_13(%arg0: i32) -> (i32, i32) {
    %c0_i32 = arith.constant 0 : i32
    %c0_i32_0 = arith.constant 0 : i32
    return %c0_i32, %arg0 : i32, i32
  }
}

</mosaic_0001>

<sc_bundles>
// kernel: kernel.4.cloned.1.call-start
scs
__scs_entry_jumppad:
0x0: {  	(pc) =	sbr.rel $0x88, $3  }
0x1: {  	(tag) =	ssettag $0x0;
	lr =	simm.s32 $0x1  }
0x2: {  	[smem:$0x3F94] =	sst lr;
	_ =	strace $0xD0000000  }
0x3: {  	_ = 	snop  }
0x4: {  	_ = 	snop  }
0x5: {  	_ = 	snop  }
0x6: {  	_ = 	snop  }
0x7: {  	_ = 	snop  }
__scs_overlays_trampoline_lowered:
0x8: {  	[smem:$0x3FA3] =	sst s0  }
0x9: {  	[smem:$0x3FA4] =	sst s1  }
0xa: {  	[smem:$0x3FA5] =	sst s2  }
0xb: {  	[smem:$0x3FA6] =	sst s3  }
0xc: {  	[smem:$0x3FA7] =	sst s4  }
0xd: {  	[smem:$0x3FA8] =	sst s5  }
0xe: {  	[smem:$0x3FA9] =	sst s6  }
0xf: {  	[smem:$0x3FAA] =	sst s7  }
0x10: {  	[smem:$0x3FAB] =	sst s8  }
0x11: {  	[smem:$0x3FAC] =	sst s9;
	s0 =	simm.s32 @!p0 $0x0  }
0x12: {  	s1 =	sld [smem:$0x3F92];
	s0 =	simm.s32 @p0 $0x1  }
0x13: {  	[smem:$0x3FAD] =	sst s0;
	s0 =	simm.s32 @!p1 $0x0  }
0x14: {  	s2 =	sld [smem:$0x3F91];
	s0 =	simm.s32 @p1 $0x1  }
0x15: {  	[smem:$0x3FAE] =	sst s0;
	s0 =	simm.s32 @!p2 $0x0  }
0x16: {  	s3 =	sld [smem:$0x3FDB];
	s0 =	simm.s32 @p2 $0x1  }
0x17: {  	s4 =	simm.s32 $0x1BF5;
	[smem:$0x3FB0] =	sst s0  }
0x18: {  	s0 =	sld [smem:$0x3F93];
	_ =	swait.ge [sflag:s4], $0x0  }
0x19: {  	s7 =	sld [smem:$0x3F94]  }
0x1a: {  	s8 =	sadd.s32 $0xFFFFE003, lr  }
0x1b: {  	s9 =	sadd.s32 $0xFFFFFEF7, lr;
	s5 =	simm.s32 $0xFFFFFFFF;
	p2 =	slt.u32 s8, $0xFFFFF086  }
0x1c: {  	p1 =	slt.u32 s9, $0xF7A;
	s5 =	simm.s32 @!p2 $0x0  }
0x1d: {  	s5 =	simm.s32 @p1 $0x1;
	p0 =	seq.s32 s7, s2  }
0x1e: {  	s7 =	smul.u32 @!p0 $0xF7A, s2;
	p2 =	seq.s32 @!p0 s5, $0x0  }
0x1f: {  	s9 =	smul.u32 $0xF7A, s1;
	s8 =	simm.s32 @!p0 $0x1BF5;
	p2 =	por !p2, p0  }
0x20: {  	[sflag:s8] =	ssyncset.s32 @!p0 $0xFFFFF086;
	s6 =	sadd.s32 @!p0 s3, s7;
	s7 =	simm.s32 @!p0 $0x108  }
0x21: {  	s3 =	sadd.s32 s3, s9;
	s6 =	sadd.s32 @!p0 $0x88, s6;
	s7 =	simm.s32 @p2 $0x1082  }
0x22: {  	[simem:s7], [sflag:s8] =	dma.local @!p0 [hbm:s6], $0xF7A  }
0x23: {  	s9 =	sor.u32 $0xD0000000, s2;
	s6 =	simm.s32 $0x108;
	_ =	swait.ge @!p0 [sflag:s8], $0x0  }
0x24: {  	s3 =	sadd.s32 $0x88, s3;
	s6 =	simm.s32 @!p1 $0x1082;
	[sflag:s4] =	ssyncset.s32 $0xFFFFF086  }
0x25: {  	[simem:s6], [sflag:s4] =	dma.local [hbm:s3], $0xF7A  }
0x26: {  	[smem:$0x3F94] =	sst s1;
	(tag) =	ssettag s2;
	_ =	strace s9  }
0x27: {  	s1 =	sld [smem:$0x3FA4]  }
0x28: {  	s2 =	sld [smem:$0x3FA5]  }
0x29: {  	s4 =	sld [smem:$0x3FA7]  }
0x2a: {  	p0 =	seq.s32 s5, $0x0;
	s5 =	sld [smem:$0x3FA8]  }
0x2b: {  	s6 =	sld [smem:$0x3FA9]  }
0x2c: {  	s7 =	sld [smem:$0x3FAA]  }
0x2d: {  	s3 =	simm.s32 $0x108;
	s8 =	sld [smem:$0x3FAB]  }
0x2e: {  	s3 =	simm.s32 @!p0 $0x1082;
	s9 =	sld [smem:$0x3FAC]  }
0x2f: {  	lr =	sadd.s32 s0, s3;
	s0 =	sld [smem:$0x3FA3]  }
0x30: {  	s3 =	sld [smem:$0x3FA6]  }
0x31: {  	[smem:$0x3FAF] =	sst s10  }
0x32: {  	s10 =	sld [smem:$0x3FAD];
	_ =	sdelay $0x3  }
0x33: {  	p0 =	seq.s32 s10, $0x1;
	s10 =	sld [smem:$0x3FAF];
	_ =	sdelay $0x3  }
0x34: {  	[smem:$0x3FAF] =	sst s10  }
0x35: {  	s10 =	sld [smem:$0x3FAE];
	_ =	sdelay $0x3  }
0x36: {  	p1 =	seq.s32 s10, $0x1;
	s10 =	sld [smem:$0x3FAF];
	_ =	sdelay $0x3  }
0x37: {  	[smem:$0x3FAF] =	sst s10  }
0x38: {  	s10 =	sld [smem:$0x3FB0]  }
0x39: {  	_ = 	snop;
	(pc) =	sbr.ind lr, $3  }
0x3a: {  	_ = 	snop  }
0x3b: {  	_ = 	snop  }
0x3c: {  	p2 =	seq.s32 s10, $0x1;
	s10 =	sld [smem:$0x3FAF]  }
0x3d: {  	_ =	shalt  }
0x3e: {  	_ =	shalt  }
0x3f: {  	_ =	shalt  }
0x40: {  	_ =	shalt  }
0x41: {  	_ =	shalt  }
0x42: {  	_ =	shalt  }
0x43: {  	_ =	shalt  }
0x44: {  	_ =	shalt  }
0x45: {  	_ =	shalt  }
0x46: {  	_ =	shalt  }
0x47: {  	_ =	shalt  }
0x48: {  	_ =	shalt  }
0x49: {  	_ =	shalt  }
0x4a: {  	_ =	shalt  }
0x4b: {  	_ =	shalt  }
0x4c: {  	_ =	shalt  }
0x4d: {  	_ =	shalt  }
0x4e: {  	_ =	shalt  }
0x4f: {  	_ =	shalt  }
0x50: {  	_ =	shalt  }
0x51: {  	_ =	shalt  }
0x52: {  	_ =	shalt  }
0x53: {  	_ =	shalt  }
0x54: {  	_ =	shalt  }
0x55: {  	_ =	shalt  }
0x56: {  	_ =	shalt  }
0x57: {  	_ =	shalt  }
0x58: {  	_ =	shalt  }
0x59: {  	_ =	shalt  }
0x5a: {  	_ =	shalt  }
0x5b: {  	_ =	shalt  }
0x5c: {  	_ =	shalt  }
0x5d: {  	_ =	shalt  }
0x5e: {  	_ =	shalt  }
0x5f: {  	_ =	shalt  }
0x60: {  	_ =	shalt  }
0x61: {  	_ =	shalt  }
0x62: {  	_ =	shalt  }
0x63: {  	_ =	shalt  }
0x64: {  	_ =	shalt  }
0x65: {  	_ =	shalt  }
0x66: {  	_ =	shalt  }
0x67: {  	_ =	shalt  }
0x68: {  	_ =	shalt  }
0x69: {  	_ =	shalt  }
0x6a: {  	_ =	shalt  }
0x6b: {  	_ =	shalt  }
0x6c: {  	_ =	shalt  }
0x6d: {  	_ =	shalt  }
0x6e: {  	_ =	shalt  }
0x6f: {  	_ =	shalt  }
0x70: {  	_ =	shalt  }
0x71: {  	_ =	shalt  }
0x72: {  	_ =	shalt  }
0x73: {  	_ =	shalt  }
0x74: {  	_ =	shalt  }
0x75: {  	_ =	shalt  }
0x76: {  	_ =	shalt  }
0x77: {  	_ =	shalt  }
0x78: {  	_ =	shalt  }
0x79: {  	_ =	shalt  }
0x7a: {  	_ =	shalt  }
0x7b: {  	_ =	shalt  }
0x7c: {  	_ =	shalt  }
0x7d: {  	_ =	shalt  }
0x7e: {  	_ =	shalt  }
0x7f: {  	_ =	shalt  }
0x80: {  	_ =	shalt  }
0x81: {  	_ =	shalt  }
0x82: {  	_ =	shalt  }
0x83: {  	_ =	shalt  }
0x84: {  	_ =	shalt  }
0x85: {  	_ =	shalt  }
0x86: {  	_ =	shalt  }
0x87: {  	_ =	shalt  }
.Lfunc_end0:
.L_simem_size_0:
called_computation_lowered:
.L_overlay_start_0:
0x88: {  	s2 =	sld [smem:$0x3FD9]  }
0x89: {  	s3 =	sld [smem:$0x3FFE];
	_ =	sdelay $0x1  }
0x8a: {  	s1 =	srdreg.scid  }
0x8b: {  	s0 =	sand.u32 $0x1, s1  }
0x8c: {  	s17 =	sshll.u32 s0, $0xA;
	s2 =	sadd.s32 s3, s2  }
0x8d: {  	s2 =	sadd.s32 s2, s17  }
0x8e: {  	[smem:$0x3FBB] =	sst s2  }
0x8f: {  	_ = 	snop  }
0x90: {  	s2 =	sld [smem:$0x3FC5];
	(tm) =	ssettm $0x1  }
0x91: {  	s18 =	sld [smem:$0x3FFB];
	_ =	sdelay $0x3  }
0x92: {  	_ =	strace s18  }
0x93: {  	s3 =	sld [smem:$0x3FFC];
	_ =	sdelay $0x3  }
0x94: {  	_ =	strace s3  }
0x95: {  	s3 =	sld [smem:$0x3FFD];
	_ =	sdelay $0x3  }
0x96: {  	_ =	strace s3  }
0x97: {  	_ =	strace $0x8FFFFFFF  }
0x98: {  	s19 =	sld [smem:$0x3FDB];
	_ =	sdelay $0x1  }
0x99: {  	s4 =	simm.s32 $_scs_section_size  }
0x9a: {  	s5 =	simm.s32 $_size__tile_overlayer_lowered;
	s6 =	simm.s32 $_tile_overlayer_lowered  }
0x9b: {  	s22 =	simm.s32 $0x1BFF;
	s21 =	sshll.u32 s6, $0x1;
	s3 =	sadd.s32 s4, s19  }
0x9c: {  	s7 =	simm.s32 $0x0;
	s20 =	sshll.u32 s5, $0x1;
	s5 =	sadd.s32 s21, s3  }
0x9d: {  	[timem:s7], [sflag:s22] =	dma.local [hbm:s5], s20  }
0x9e: {  	_ =	swait.ge [sflag:s22], s20  }
0x9f: {  	s4 =	ssub.s32 $0x0, s20;
	[sflag:s22] =	ssyncset.done $0x0  }
0xa0: {  	[sflag:s22] =	ssyncadd.s32 s4;
	_ =	sdelay $0x1  }
0xa1: {  	s23 =	simm.s32 $0x1B8B  }
0xa2: {  	_ =	swait.ge [sflag:s23], $0x1  }
0xa3: {  	[sflag:s23] =	ssyncset.done $0x0  }
0xa4: {  	s25 =	simm.s32 $0x1B8E;
	s24 =	sld [smem:$0x3FFE];
	[sflag:s23] =	ssyncadd.s32 $0xFFFFFFFF  }
0xa5: {  	s26 =	simm.s32 $execute0_lowered;
	[smem:$0x3FD2] =	sst s25  }
0xa6: {  	s5 =	sshll.u32 s26, $0x1;
	_ =	strace $0x80000046;
	[dreg:$0x1] =	wrdreg $0xFFFFFFFF  }
0xa7: {  	s28 =	simm.s32 $_size_execute0_lowered;
	s3 =	sadd.s32 s3, s5;
	[dreg:$0x0] =	wrdreg $0x0  }
0xa8: {  	s5 =	sshll.u32 s28, $0x1;
	[dreg:$0x2] =	wrdreg s3  }
0xa9: {  	[dreg:$0x3] =	wrdreg s5  }
0xaa: {  	[dreg:$0x4] =	wrdreg $0xC0  }
0xab: {  	_ =	task [dreg:s7], $0x5FFFF  }
0xac: {  	[dreg:$0x1] =	wrdreg $0xFFFFFFFF  }
0xad: {  	[dreg:$0x0] =	wrdreg $0x60  }
0xae: {  	[dreg:$0x2] =	wrdreg s2  }
0xaf: {  	[dreg:$0x3] =	wrdreg s24  }
0xb0: {  	[dreg:$0x4] =	wrdreg $0x145C00  }
0xb1: {  	[dreg:$0x5] =	wrdreg $0x146000  }
0xb2: {  	[dreg:$0x6] =	wrdreg $0x82800  }
0xb3: {  	[dreg:$0x7] =	wrdreg $0xE4000  }
0xb4: {  	[dreg:$0x8] =	wrdreg $0x156400  }
0xb5: {  	[dreg:$0x9] =	wrdreg $0x146400  }
0xb6: {  	[dreg:$0xa] =	wrdreg $0x9  }
0xb7: {  	_ =	task.clear_ibuf [dreg:s7], $0xBFFFF;
	_ =	strace $0x90000046  }
0xb8: {  	s29 =	simm.s32 $0x9;
	_ =	strace $0x80000048  }
0xb9: {  	_ =	swait.ge [sflag:s29], $0x1  }
0xba: {  	[sflag:s29] =	ssyncadd.s32 $0xFFFFFFFF  }
0xbb: {  	_ =	strace $0x90000048  }
0xbc: {  	_ =	sfence  }
0xbd: {  	s30 =	sld [smem:$0x0];
	_ =	sdelay $0x2  }
0xbe: {  	s31 =	sshll.u32 s1, $0xD;
	s1 =	sshrl.u32 s1, $0x2  }
0xbf: {  	s3 =	sand.u32 $0x4000, s31;
	s1 =	sadd.s32 s1, s30  }
0xc0: {  	s0 =	sor.u32 s3, s0;
	s1 =	sshll.u32 s1, $0x11  }
0xc1: {  	s0 =	sor.u32 s1, s0  }
0xc2: {  	s0 =	sadd.s32 $0x8F2B, s0  }
0xc3: {  	[sflag:s0] =	ssyncadd.remote.s32 $0x1  }
0xc4: {  	_ =	sfence.sel $0xFFFF  }
0xc5: {  	[dreg:$0x0] =	wrdreg $0xFFFFFFFF;
	(pc) =	sbr.abs _section_cstart, $3  }
0xc6: {  	[dreg:$0x1] =	wrdreg $0xFFFFFFFF  }
0xc7: {  	_ =	task.clear_ibuf [dreg:s7], $0x2FFFF;
	_ =	strace $0x9FFFFFFF  }
0xc8: {  	(tm) =	ssettm $0x7FFFFFFF  }
0xc9: {  	_ =	shalt  }
tec
execute0_lowered:
.L_overlay_start_1:
0x0: {  	(tag) =	ssettag $0x1  }
0x1: {  	s0 =	rddreg [dreg:$0x0]  }
0x2: {  	s1 =	rddreg [dreg:$0x1]  }
0x3: {  	s13 =	rddreg [dreg:$0x2]  }
0x4: {  	s14 =	rddreg [dreg:$0x3]  }
0x5: {  	s4 =	rddreg [dreg:$0x4]  }
0x6: {  	s20 =	rddreg [dreg:$0x5]  }
0x7: {  	s21 =	rddreg [dreg:$0x6]  }
0x8: {  	s23 =	rddreg [dreg:$0x7];
	s2 =	simm.s32 $0x0;
	s26 =	srdreg.scid  }
0x9: {  	s12 =	stileid.u32;
	s28 =	simm.s32 $0x1;
	s31 =	simm.s32 $0x5  }
0xa: {  	[smem:$0x7FF] =	sst s2;
	s9 =	sadd.s32 $0x4C00, s1;
	s10 =	sadd.s32 $0x1800, s1  }
0xb: {  	s2 =	sand.u32 $0x1, s26;
	s11 =	sadd.s32 $0xB400, s1;
	s30 =	sshrl.u32 s12, $0x3  }
0xc: {  	s19 =	sshll.u32 s12, $0x7;
	s7 =	sshll.u32 s12, $0x8;
	s3 =	smul.u32 $0x9ED800, s2  }
0xd: {  	s8 =	sshll.u32 s12, $0xD;
	p1 =	sne.s32 s12, $0x0;
	s6 =	smul.u32 $0x3400, s2  }
0xe: {  	p2 =	seq.s32 s12, $0x0;
	_ =	strace $0x80000047;
	s15 =	smul.u32 $0xD, s2  }
0xf: {  	s29 =	ssub.s32 $0x2, s2;
	s16 =	smul.u32 $0x68, s2;
	s22 =	sor.u32 $0x30C00, s19  }
0x10: {  	s24 =	sshll.u32 s30, $0x7;
	s7 =	sand.u32 $0x300, s7;
	s25 =	sand.u32 $0x380, s19  }
0x11: {  	s8 =	sand.u32 $0x8000, s8;
	s2 =	smul.u32 $0x680000, s2;
	p0 =	sne.s32 s30, $0x0  }
0x12: {  	s5 =	sshrl.u32 s29, $0x1;
	s17 =	sadd.s32 s22, s4;
	s30 =	sadd.s32 s25, s13  }
0x13: {  	s22 =	sadd.s32 s25, s14;
	s13 =	simm.s32 $0x400;
	s14 =	simm.s32 $0x1000  }
0x14: {  	s1 =	ssub.s32 s29, s5;
	s3 =	sadd.s32 s0, s3;
	s18 =	sadd.s32 s9, s6  }
0x15: {  	s6 =	sor.u32 s24, s7;
	s29 =	sadd.s32 s25, s20;
	[dreg:$0xb] =	wrdreg s30  }
0x16: {  	s2 =	sshrl.u32 s2, $0x3;
	s25 =	simm.s32 $0x2;
	[dreg:$0x9] =	wrdreg s3  }
0x17: {  	s7 =	simm.s32 $0x0;
	[dreg:$0xa] =	wrdreg s18;
	s18 =	sadd.s32 s19, s4  }
.Ltmp0:
0x18: {  	s19 =	sadd.s32 s19, s20;
	s26 =	sor.u32 s8, s6;
	(pc) =	sbr.rel .LBB2_1-.Ltmp0, $4  }
0x19: {  	s20 =	sadd.s32 $0x30C00, s29;
	s2 =	sadd.s32 s11, s2;
	s1 =	smax.u32 s1, $0x1  }
0x1a: {  	s6 =	simm.s32 $0x7280;
	s3 =	simm.s32 $0x7200;
	s23 =	sadd.s32 s26, s23  }
0x1b: {  	s24 =	sadd.s32 s26, s21;
	s2 =	sadd.s32 $0xCE000, s2;
	[dreg:$0xd] =	wrdreg s1  }
0x1c: {  	s26 =	simm.s32 $0x3;
	[dreg:$0xc] =	wrdreg s2;
	s2 =	simm.s32 $0x80  }
.LBB2_38:
0x1d: {  	[bflag:$0x0] =	sbarrier.arrive $0xFFFF  }
0x1e: {  	s1 =	rddreg [dreg:$0x6]  }
0x1f: {  	s5 =	simm.s32 @!p1 $0x1C05;
	s7 =	rddreg [dreg:$0xc];
	s1 =	sshrl.u32 @!p1 s1, $0x3  }
0x20: {  	[hbm:s7], [sflag:s5] =	dma.local @!p1 [spmem:s1], $0x2000  }
0x21: {  	s1 =	simm.s32 @!p1 $0x5  }
0x22: {  	_ =	swait.ge @!p1 [sflag:s1], $0x2000  }
0x23: {  	s29 =	rddreg [dreg:$0xe]  }
0x24: {  	s30 =	rddreg [dreg:$0xd];
	s7 =	sadd.s32 $0x1, s29  }
0x25: {  	p3 =	sne.s32 s7, s30  }
.Ltmp1:
0x26: {  	_ = 	snop;
	(pc) =	sbr.rel @!p3 .LBB2_39-.Ltmp1, $3  }
0x27: {  	_ =	sdelay $0x1  }
0x28: {  	[sflag:s1] =	ssyncset.done @!p1 $0x0  }
0x29: {  	[sflag:s1] =	ssyncadd.s32 @!p1 $0xFFFFE000  }
.LBB2_1:
0x2a: {  	[dreg:$0xe] =	wrdreg s7;
	s1 =	sshrl.u32 @!p1 s4, $0x3  }
.Ltmp2:
0x2b: {  	s5 =	simm.s32 @!p1 $0x1C01;
	s7 =	rddreg [dreg:$0x9];
	(pc) =	sbr.rel .LBB2_2-.Ltmp2, $4  }
0x2c: {  	[spmem:s1], [sflag:s5] =	dma.local @!p1 [hbm:s7], $0xC300  }
0x2d: {  	s8 =	simm.s32 $0x0;
	s1 =	rddreg [dreg:$0x2]  }
0x2e: {  	s5 =	simm.s32 @!p1 $0x1C03;
	s7 =	rddreg [dreg:$0xa];
	s1 =	sshrl.u32 @!p1 s1, $0x3  }
0x2f: {  	[spmem:s1], [sflag:s5] =	dma.local @!p1 [hbm:s7], $0x80  }
.LBB2_37:
0x30: {  	s8 =	sadd.s32 $0x1, s8  }
0x31: {  	p3 =	sne.s32 s8, $0x34  }
.Ltmp3:
0x32: {  	_ = 	snop;
	(pc) =	sbr.rel @!p3 .LBB2_38-.Ltmp3, $4  }
0x33: {  	[spmem:s24] =	stream.strided.scatter [tilespmem:s6], [sflag:$0x5], $0x1000, s13, s2, $0x38;
	[tilespmem:$0x16640] =	vst v63  }
0x34: {  	_ =	swait.ge [sflag:s31], $0x1000  }
0x35: {  	[sflag:s31] =	ssyncset.done $0x0  }
0x36: {  	[sflag:s31] =	ssyncadd.s32 $0xFFFFF000  }
.LBB2_2:
.Ltmp4:
0x37: {  	(pc) =	sbr.rel @!p1 .LBB2_3-.Ltmp4, $2  }
0x38: {  	_ =	sdelay $0x2  }
0x39: {  	s7 =	sshll.u32 s8, $0x1  }
.Ltmp5:
0x3a: {  	(pc) =	sbr.rel .LBB2_6-.Ltmp5, $2  }
0x3b: {  	_ =	sdelay $0x1  }
0x3c: {  	[bflag:$0x0] =	sbarrier.arrive $0xFFFF;
	_ =	sdelay $0x1  }
.LBB2_3:
0x3d: {  	s1 =	sshrl.u32 s8, $0x2  }
0x3e: {  	s1 =	sadd.s32 s15, s1  }
0x3f: {  	s29 =	sand.u32 $0x6, s7;
	s5 =	sshll.u32 s1, $0x3  }
0x40: {  	_ =	swait.ge [sflag:s28], $0xC300;
	s5 =	sor.u32 s29, s5  }
0x41: {  	p3 =	seq.s32 s8, $0x0;
	[sflag:s28] =	ssyncset.done $0x0;
	s5 =	smul.u32 $0xC3800, s5  }
.Ltmp6:
0x42: {  	[sflag:s28] =	ssyncadd.s32 $0xFFFF3D00;
	(pc) =	sbr.rel @p3 .LBB2_8-.Ltmp6, $4  }
0x43: {  	[bflag:$0x0] =	sbarrier.arrive $0xFFFF;
	s5 =	sshrl.u32 s5, $0x3  }
0x44: {  	s21 =	rddreg [dreg:$0x5];
	s5 =	sadd.s32 s0, s5  }
0x45: {  	s30 =	simm.s32 $0x1C02;
	s21 =	sshrl.u32 s21, $0x3;
	s5 =	sadd.s32 $0xC300, s5  }
0x46: {  	[spmem:s21], [sflag:s30] =	dma.local [hbm:s5], $0xC380  }
0x47: {  	s1 =	sadd.s32 s16, s7  }
0x48: {  	s1 =	sshll.u32 s1, $0x10  }
0x49: {  	s1 =	sadd.s32 $0xFFFF0000, s1  }
0x4a: {  	s5 =	rddreg [dreg:$0x6];
	s1 =	sshrl.u32 s1, $0x3  }
0x4b: {  	s21 =	simm.s32 $0x1C05;
	s5 =	sshrl.u32 s5, $0x3;
	s1 =	sadd.s32 s11, s1  }
0x4c: {  	[hbm:s1], [sflag:s21] =	dma.local [spmem:s5], $0x2000  }
0x4d: {  	_ =	swait.ge [sflag:s31], $0x2000  }
0x4e: {  	[sflag:s31] =	ssyncset.done $0x0  }
0x4f: {  	[sflag:s31] =	ssyncadd.s32 $0xFFFFE000  }
.LBB2_6:
0x50: {  	s1 =	sand.u32 $0x3, s8  }
0x51: {  	p3 =	sne.s32 s1, $0x0  }
.Ltmp7:
0x52: {  	_ = 	snop;
	(pc) =	sbr.rel @p3 .LBB2_9-.Ltmp7, $1  }
0x53: {  	_ =	sdelay $0x3  }
0x54: {  	s1 =	sshrl.u32 s8, $0x2  }
0x55: {  	s1 =	sadd.s32 s15, s1  }
.LBB2_8:
0x56: {  	s1 =	sshll.u32 s1, $0x9  }
0x57: {  	s5 =	simm.s32 $0x0;
	s1 =	sadd.s32 s10, s1  }
0x58: {  	[tilespmem:s5], [sflag:$0x5] =	stream.linear.gather [hbm4b:s1+s5], $0x1000, $0x38;
	[tilespmem:$0x16640] =	vst v63  }
0x59: {  	_ =	swait.ge [sflag:s31], $0x1000  }
0x5a: {  	[sflag:s31] =	ssyncset.done $0x0  }
0x5b: {  	[sflag:s31] =	ssyncadd.s32 $0xFFFFF000  }
.LBB2_9:
.Ltmp8:
0x5c: {  	(pc) =	sbr.rel @!p0 .LBB2_10-.Ltmp8, $1  }
0x5d: {  	_ =	sdelay $0x3  }
0x5e: {  	[tilespmem:s14], [sflag:$0x5] =	stream.strided.gather [spmem:s17], $0x6180, s13, s2, $0x38;
	[tilespmem:$0x16640] =	vst v63  }
0x5f: {  	_ =	swait.ge [sflag:s31], $0x6180  }
0x60: {  	[sflag:s31] =	ssyncset.done $0x0  }
0x61: {  	s30 =	simm.s32 $0x0;
	[sflag:s31] =	ssyncadd.s32 $0xFFFF9E80  }
0x62: {  	v0 =	vld [tilespmem:s30+$0x0];
	_ =	sdelay $0x4  }
0x63: {  	v0 =	vadd.s32 $0xFFFF9E80, v0  }
0x64: {  	s1 =	simm.s32 $0x10;
	vm0 =	vgt.s32 v0, $0x0  }
0x65: {  	v1 =	vld [tilespmem:s1+$0x0];
	v2 =	vnsel vm0, $0x0, v0  }
0x66: {  	v2 =	vmin.u32 v2, $0x617F;
	_ =	sdelay $0x3  }
0x67: {  	v1 =	vadd.s32 $0xFFFF9E80, v1  }
0x68: {  	vm15 =	vgt.s32 v1, $0x0;
	v2 =	vld.idx.msk [tilespmem:v2+s14+$0x0], $0xffff  }
0x69: {  	s5 =	simm.s32 $0x20;
	s29 =	simm.s32 $0xC0;
	v3 =	vnsel vm15, $0x0, v1  }
.LBB2_15:
0x6a: {  	p3 =	sne.s32 s29, $0x3FC0;
	v4 =	vld [tilespmem:s5+$0x0];
	v3 =	vmin.u32 v3, $0x617F;
	_ =	sdelay $0x1  }
0x6b: {  	vm0 =	vlt.u32 v0, $0x6180;
	v0 =	vmov v1  }
.Ltmp9:
0x6c: {  	v1 =	vnsel vm0, $0x0, v2;
	(pc) =	sbr.rel @p3 .LBB2_15-.Ltmp9, $4  }
0x6d: {  	[tilespmem:s30+$0x7280] =	vst v1;
	s30 =	smov.u32 s1;
	s1 =	smov.u32 s5  }
0x6e: {  	v1 =	vadd.s32 $0xFFFF9E80, v4;
	v2 =	vld.idx.msk [tilespmem:v3+s14+$0x0], $0xffff  }
0x6f: {  	vm0 =	vgt.s32 v1, $0x0  }
0x70: {  	s5 =	sshra.s32 s29, $0x2;
	s29 =	sadd.s32 $0x40, s29;
	v3 =	vnsel vm0, $0x0, v1  }
0x71: {  	v4 =	vld [tilespmem:s5+$0x0]  }
0x72: {  	v3 =	vmin.u32 v3, $0x617F;
	_ =	sdelay $0x1  }
0x73: {  	vm0 =	vlt.u32 v0, $0x6180  }
0x74: {  	v0 =	vnsel vm0, $0x0, v2  }
0x75: {  	[tilespmem:s30+$0x7280] =	vst v0;
	v61 =	vadd.s32 $0xFFFF9E80, v4  }
0x76: {  	v62 =	vld.idx.msk [tilespmem:v3+s14+$0x0], $0xffff;
	vm13 =	vgt.s32 v61, $0x0  }
0x77: {  	v63 =	vnsel vm13, $0x0, v61  }
0x78: {  	v3 =	vmin.u32 v63, $0x617F;
	_ =	sdelay $0x1  }
0x79: {  	vm14 =	vlt.u32 v1, $0x6180  }
0x7a: {  	v1 =	vnsel vm14, $0x0, v62  }
0x7b: {  	[tilespmem:s1+$0x7280] =	vst v1  }
0x7c: {  	v1 =	vld.idx.msk [tilespmem:v3+s14+$0x0], $0xffff;
	_ =	sdelay $0x1  }
.Ltmp10:
0x7d: {  	_ = 	snop;
	(pc) =	sbr.rel @p2 .LBB2_17-.Ltmp10, $4  }
0x7e: {  	_ = 	snop  }
0x7f: {  	vm15 =	vlt.u32 v61, $0x6180  }
0x80: {  	v0 =	vnsel vm15, $0x0, v1  }
0x81: {  	[tilespmem:s5+$0x7280] =	vst v0  }
0x82: {  	[bflag:$0x0] =	sbarrier.arrive $0xFFFF  }
0x83: {  	[tilespmem:s14], [sflag:$0x5] =	stream.strided.gather [spmem:s20], $0x6200, s13, s2, $0x38;
	[tilespmem:$0x16640] =	vst v63  }
0x84: {  	_ =	swait.ge [sflag:s31], $0x6200  }
0x85: {  	[sflag:s31] =	ssyncset.done $0x0  }
0x86: {  	s1 =	rddreg [dreg:$0xb];
	[sflag:s31] =	ssyncadd.s32 $0xFFFF9E00  }
0x87: {  	[tilespmem:s3], [sflag:$0x5] =	stream.linear.gather [spmem:s1], $0x80, $0x38;
	[tilespmem:$0x16640] =	vst v63  }
0x88: {  	_ =	swait.ge [sflag:s31], $0x80  }
0x89: {  	[sflag:s31] =	ssyncset.done $0x0  }
0x8a: {  	s30 =	simm.s32 $0x0;
	[sflag:s31] =	ssyncadd.s32 $0xFFFFFF80  }
0x8b: {  	v0 =	vld [tilespmem:s30+$0x0];
	_ =	sdelay $0x4  }
0x8c: {  	v1 =	vadd.s32 $0xFFFEDB80, v0  }
0x8d: {  	s1 =	simm.s32 $0x10;
	vm0 =	vgt.s32 v1, $0x0  }
0x8e: {  	v2 =	vnsel vm0, $0x0, v1;
	v1 =	vld [tilespmem:s1+$0x0]  }
0x8f: {  	v2 =	vmin.u32 v2, $0x627F;
	_ =	sdelay $0x3  }
0x90: {  	v3 =	vld [tilespmem:s30+$0x7280];
	v4 =	vadd.s32 $0xFFFEDB80, v1  }
0x91: {  	v2 =	vld.idx.msk [tilespmem:v2+s14+$0x0], $0xffff;
	vm15 =	vgt.s32 v4, $0x0  }
0x92: {  	s5 =	simm.s32 $0x20;
	s29 =	simm.s32 $0xC0;
	v4 =	vnsel vm15, $0x0, v4  }
.LBB2_22:
0x93: {  	p3 =	sne.s32 s29, $0x3FC0;
	v5 =	vld [tilespmem:s5+$0x0];
	v4 =	vmin.u32 v4, $0x627F;
	_ =	sdelay $0x1  }
0x94: {  	vm0 =	vgt.s32 v0, $0x1247F;
	v0 =	vmov v1  }
.Ltmp11:
0x95: {  	v3 =	vsel vm0, v2, v3;
	(pc) =	sbr.rel @p3 .LBB2_22-.Ltmp11, $4  }
0x96: {  	[tilespmem:s30+$0x7280] =	vst v3;
	s30 =	smov.u32 s1;
	s1 =	smov.u32 s5  }
0x97: {  	v6 =	vadd.s32 $0xFFFEDB80, v5;
	v2 =	vld.idx.msk [tilespmem:v4+s14+$0x0], $0xffff;
	v1 =	vmov v5  }
0x98: {  	vm0 =	vgt.s32 v6, $0x0;
	v3 =	vld [tilespmem:s30+$0x7280]  }
0x99: {  	s5 =	sshra.s32 s29, $0x2;
	s29 =	sadd.s32 $0x40, s29;
	v4 =	vnsel vm0, $0x0, v6  }
0x9a: {  	v4 =	vmin.u32 v4, $0x627F  }
0x9b: {  	v5 =	vld [tilespmem:s5+$0x0]  }
0x9c: {  	vm0 =	vgt.s32 v0, $0x1247F  }
0x9d: {  	v0 =	vsel vm0, v2, v3  }
0x9e: {  	[tilespmem:s30+$0x7280] =	vst v0  }
0x9f: {  	v62 =	vld.idx.msk [tilespmem:v4+s14+$0x0], $0xffff  }
0xa0: {  	v61 =	vadd.s32 $0xFFFEDB80, v5;
	v63 =	vld [tilespmem:s1+$0x7280]  }
0xa1: {  	vm13 =	vgt.s32 v61, $0x0  }
0xa2: {  	v0 =	vnsel vm13, $0x0, v61  }
0xa3: {  	v0 =	vmin.u32 v0, $0x627F  }
0xa4: {  	vm14 =	vgt.s32 v1, $0x1247F  }
0xa5: {  	v1 =	vsel vm14, v62, v63  }
0xa6: {  	[tilespmem:s1+$0x7280] =	vst v1  }
0xa7: {  	v1 =	vld [tilespmem:s5+$0x7280]  }
0xa8: {  	v0 =	vld.idx.msk [tilespmem:v0+s14+$0x0], $0xffff;
	_ =	sdelay $0x1  }
.Ltmp12:
0xa9: {  	_ = 	snop;
	(pc) =	sbr.rel .LBB2_24-.Ltmp12, $4  }
0xaa: {  	_ = 	snop  }
0xab: {  	vm15 =	vgt.s32 v5, $0x1247F  }
0xac: {  	v0 =	vsel vm15, v0, v1  }
0xad: {  	[tilespmem:s5+$0x7280] =	vst v0  }
.LBB2_10:
0xae: {  	[tilespmem:s14], [sflag:$0x5] =	stream.strided.gather [spmem:s18], $0x6180, s13, s2, $0x38;
	[tilespmem:$0x16640] =	vst v63  }
0xaf: {  	_ =	swait.ge [sflag:s31], $0x6180  }
0xb0: {  	[sflag:s31] =	ssyncset.done $0x0  }
0xb1: {  	s30 =	simm.s32 $0x0;
	[sflag:s31] =	ssyncadd.s32 $0xFFFF9E80  }
0xb2: {  	v0 =	vld [tilespmem:s30+$0x0];
	_ =	sdelay $0x4  }
0xb3: {  	vm0 =	vgt.s32 v0, $0x0  }
0xb4: {  	s1 =	simm.s32 $0x10;
	v2 =	vnsel vm0, $0x0, v0  }
0xb5: {  	v1 =	vld [tilespmem:s1+$0x0];
	v2 =	vmin.u32 v2, $0x617F;
	_ =	sdelay $0x4  }
0xb6: {  	vm15 =	vgt.s32 v1, $0x0;
	v2 =	vld.idx.msk [tilespmem:v2+s14+$0x0], $0xffff  }
0xb7: {  	v3 =	vnsel vm15, $0x0, v1  }
0xb8: {  	s5 =	simm.s32 $0x20;
	s29 =	simm.s32 $0xC0;
	v3 =	vmin.u32 v3, $0x617F  }
.LBB2_11:
0xb9: {  	p3 =	seq.s32 s29, $0x3FC0;
	v4 =	vld [tilespmem:s5+$0x0]  }
0xba: {  	vm0 =	vlt.s32 v0, $0x6180;
	v0 =	vmov v1  }
0xbb: {  	v1 =	vnsel vm0, $0x0, v2  }
.Ltmp13:
0xbc: {  	[tilespmem:s30+$0x7280] =	vst v1;
	s30 =	smov.u32 s1;
	s1 =	smov.u32 s5;
	(pc) =	sbr.rel @!p3 .LBB2_11-.Ltmp13, $4  }
0xbd: {  	v2 =	vld.idx.msk [tilespmem:v3+s14+$0x0], $0xffff  }
0xbe: {  	vm0 =	vgt.s32 v4, $0x0;
	v1 =	vmov v4  }
0xbf: {  	v3 =	vnsel vm0, $0x0, v1  }
0xc0: {  	s5 =	sshra.s32 s29, $0x2;
	s29 =	sadd.s32 $0x40, s29;
	v3 =	vmin.u32 v3, $0x617F  }
0xc1: {  	v4 =	vld [tilespmem:s5+$0x0];
	_ =	sdelay $0x1  }
0xc2: {  	vm0 =	vlt.s32 v0, $0x6180  }
0xc3: {  	v0 =	vnsel vm0, $0x0, v2  }
0xc4: {  	[tilespmem:s30+$0x7280] =	vst v0  }
0xc5: {  	v0 =	vld.idx.msk [tilespmem:v3+s14+$0x0], $0xffff;
	vm13 =	vgt.s32 v4, $0x0  }
0xc6: {  	v63 =	vnsel vm13, $0x0, v4  }
0xc7: {  	v2 =	vmin.u32 v63, $0x617F;
	_ =	sdelay $0x1  }
0xc8: {  	vm14 =	vlt.s32 v1, $0x6180  }
0xc9: {  	v0 =	vnsel vm14, $0x0, v0  }
0xca: {  	[tilespmem:s1+$0x7280] =	vst v0  }
0xcb: {  	v0 =	vld.idx.msk [tilespmem:v2+s14+$0x0], $0xffff;
	_ =	sdelay $0x1  }
.Ltmp14:
0xcc: {  	_ = 	snop;
	(pc) =	sbr.rel @p2 .LBB2_17-.Ltmp14, $4  }
0xcd: {  	_ = 	snop  }
0xce: {  	vm15 =	vlt.s32 v4, $0x6180  }
0xcf: {  	v0 =	vnsel vm15, $0x0, v0  }
0xd0: {  	[tilespmem:s5+$0x7280] =	vst v0  }
.Ltmp15:
0xd1: {  	(pc) =	sbr.rel .LBB2_18-.Ltmp15, $2  }
0xd2: {  	_ =	sdelay $0x1  }
0xd3: {  	[bflag:$0x0] =	sbarrier.arrive $0xFFFF;
	_ =	sdelay $0x1  }
.LBB2_17:
0xd4: {  	s1 =	sshrl.u32 s8, $0x2  }
0xd5: {  	s5 =	sshll.u32 s8, $0x4;
	s1 =	sadd.s32 s15, s1  }
0xd6: {  	_ =	swait.ge [sflag:s25], $0xC380;
	s5 =	sand.u32 $0x30, s5;
	s1 =	sshll.u32 s1, $0x6  }
0xd7: {  	[sflag:s25] =	ssyncset.done $0x0;
	s1 =	sor.u32 s1, s5  }
0xd8: {  	[sflag:s25] =	ssyncadd.s32 $0xFFFF3C80;
	s1 =	sor.u32 $0x8, s1  }
0xd9: {  	_ =	swait.ge [sflag:s26], $0x80;
	s29 =	sshrl.u32 s1, $0x3  }
0xda: {  	[sflag:s26] =	ssyncset.done $0x0;
	s5 =	smul.u32 $0x18700, s29  }
0xdb: {  	s21 =	sshrl.u32 s4, $0x3;
	[sflag:s26] =	ssyncadd.s32 $0xFFFFFF80;
	s29 =	sshll.u32 s12, $0x6  }
0xdc: {  	[bflag:$0x0] =	sbarrier.arrive $0xFFFF;
	s30 =	sor.u32 $0x1C01, s29;
	s5 =	sadd.s32 s0, s5  }
0xdd: {  	[spmem:s21], [sflag:s30] =	dma.local [hbm:s5], $0xC300  }
0xde: {  	s1 =	sshll.u32 s1, $0x4;
	s21 =	rddreg [dreg:$0x3]  }
0xdf: {  	s1 =	sadd.s32 s9, s1;
	s30 =	sor.u32 $0x1C04, s29;
	s21 =	sshrl.u32 s21, $0x3  }
0xe0: {  	[spmem:s21], [sflag:s30] =	dma.local [hbm:s1], $0x80  }
.LBB2_18:
0xe1: {  	[tilespmem:s14], [sflag:$0x5] =	stream.strided.gather [spmem:s19], $0x6180, s13, s2, $0x38;
	[tilespmem:$0x16640] =	vst v63  }
0xe2: {  	_ =	swait.ge [sflag:s31], $0x6180  }
0xe3: {  	[sflag:s31] =	ssyncset.done $0x0  }
0xe4: {  	s30 =	simm.s32 $0x0;
	[sflag:s31] =	ssyncadd.s32 $0xFFFF9E80  }
0xe5: {  	v0 =	vld [tilespmem:s30+$0x0];
	_ =	sdelay $0x4  }
0xe6: {  	v0 =	vadd.s32 $0xFFFF3D00, v0  }
0xe7: {  	vm0 =	vgt.s32 v0, $0x0  }
0xe8: {  	s1 =	simm.s32 $0x10;
	v1 =	vnsel vm0, $0x0, v0  }
0xe9: {  	v2 =	vld [tilespmem:s1+$0x0];
	v3 =	vmin.u32 v1, $0x617F;
	_ =	sdelay $0x4  }
0xea: {  	v1 =	vadd.s32 $0xFFFF3D00, v2;
	v2 =	vld.idx.msk [tilespmem:v3+s14+$0x0], $0xffff  }
0xeb: {  	vm15 =	vgt.s32 v1, $0x0;
	v3 =	vld [tilespmem:s30+$0x7280]  }
0xec: {  	s5 =	simm.s32 $0x20;
	s29 =	simm.s32 $0xC0;
	v4 =	vnsel vm15, $0x0, v1  }
.LBB2_19:
0xed: {  	p3 =	seq.s32 s29, $0x3FC0;
	v5 =	vld [tilespmem:s5+$0x0];
	v4 =	vmin.u32 v4, $0x617F;
	_ =	sdelay $0x1  }
0xee: {  	vm0 =	vlt.u32 v0, $0x6180;
	v0 =	vmov v1  }
.Ltmp16:
0xef: {  	v1 =	vsel vm0, v2, v3;
	(pc) =	sbr.rel @!p3 .LBB2_19-.Ltmp16, $4  }
0xf0: {  	[tilespmem:s30+$0x7280] =	vst v1;
	s30 =	smov.u32 s1;
	s1 =	smov.u32 s5  }
0xf1: {  	v1 =	vadd.s32 $0xFFFF3D00, v5;
	v2 =	vld.idx.msk [tilespmem:v4+s14+$0x0], $0xffff  }
0xf2: {  	vm0 =	vgt.s32 v1, $0x0;
	v3 =	vld [tilespmem:s30+$0x7280]  }
0xf3: {  	s5 =	sshra.s32 s29, $0x2;
	s29 =	sadd.s32 $0x40, s29;
	v4 =	vnsel vm0, $0x0, v1  }
0xf4: {  	v4 =	vmin.u32 v4, $0x617F  }
0xf5: {  	v5 =	vld [tilespmem:s5+$0x0]  }
0xf6: {  	vm0 =	vlt.u32 v0, $0x6180  }
0xf7: {  	v0 =	vsel vm0, v2, v3  }
0xf8: {  	[tilespmem:s30+$0x7280] =	vst v0  }
0xf9: {  	v60 =	vld.idx.msk [tilespmem:v4+s14+$0x0], $0xffff  }
0xfa: {  	v59 =	vadd.s32 $0xFFFF3D00, v5;
	v61 =	vld [tilespmem:s1+$0x7280]  }
0xfb: {  	vm13 =	vgt.s32 v59, $0x0  }
0xfc: {  	v62 =	vnsel vm13, $0x0, v59  }
0xfd: {  	v4 =	vmin.u32 v62, $0x617F  }
0xfe: {  	vm14 =	vlt.u32 v1, $0x6180  }
0xff: {  	v1 =	vsel vm14, v60, v61  }
0x100: {  	[tilespmem:s1+$0x7280] =	vst v1  }
0x101: {  	v63 =	vld [tilespmem:s5+$0x7280]  }
0x102: {  	v1 =	vld.idx.msk [tilespmem:v4+s14+$0x0], $0xffff;
	_ =	sdelay $0x3  }
0x103: {  	vm15 =	vlt.u32 v59, $0x6180  }
0x104: {  	v0 =	vsel vm15, v1, v63  }
0x105: {  	[tilespmem:s5+$0x7280] =	vst v0  }
.LBB2_24:
.Ltmp17:
0x106: {  	(pc) =	sbr.rel @!p1 .LBB2_25-.Ltmp17, $4  }
0x107: {  	[spmem:s23] =	stream.strided.scatter [tilespmem:s6], [sflag:$0x5], $0x1000, s13, s2, $0x38;
	[tilespmem:$0x16640] =	vst v63  }
0x108: {  	_ =	swait.ge [sflag:s31], $0x1000  }
0x109: {  	[sflag:s31] =	ssyncset.done $0x0  }
0x10a: {  	[sflag:s31] =	ssyncadd.s32 $0xFFFFF000  }
.Ltmp18:
0x10b: {  	(pc) =	sbr.rel @!p0 .LBB2_27-.Ltmp18, $2  }
0x10c: {  	_ =	sdelay $0x1  }
0x10d: {  	[bflag:$0x0] =	sbarrier.arrive $0xFFFF;
	_ =	sdelay $0x1  }
0x10e: {  	[tilespmem:s14], [sflag:$0x5] =	stream.strided.gather [spmem:s17], $0x6180, s13, s2, $0x38;
	[tilespmem:$0x16640] =	vst v63  }
0x10f: {  	_ =	swait.ge [sflag:s31], $0x6180  }
0x110: {  	[sflag:s31] =	ssyncset.done $0x0  }
0x111: {  	s7 =	simm.s32 $0x0;
	[sflag:s31] =	ssyncadd.s32 $0xFFFF9E80  }
0x112: {  	v0 =	vld [tilespmem:s7+$0x0];
	_ =	sdelay $0x4  }
0x113: {  	v0 =	vadd.s32 $0xFFFF9E80, v0  }
0x114: {  	s1 =	simm.s32 $0x10;
	vm0 =	vgt.s32 v0, $0x0  }
0x115: {  	v1 =	vld [tilespmem:s1+$0x0];
	v2 =	vnsel vm0, $0x0, v0  }
0x116: {  	v2 =	vmin.u32 v2, $0x617F;
	_ =	sdelay $0x3  }
0x117: {  	v1 =	vadd.s32 $0xFFFF9E80, v1  }
0x118: {  	vm15 =	vgt.s32 v1, $0x0;
	v2 =	vld.idx.msk [tilespmem:v2+s14+$0x0], $0xffff  }
0x119: {  	s5 =	simm.s32 $0x20;
	s29 =	simm.s32 $0xC0;
	v3 =	vnsel vm15, $0x0, v1  }
.LBB2_33:
0x11a: {  	p3 =	seq.s32 s29, $0x3FC0;
	v4 =	vld [tilespmem:s5+$0x0];
	v3 =	vmin.u32 v3, $0x617F;
	_ =	sdelay $0x1  }
0x11b: {  	vm0 =	vlt.u32 v0, $0x6180;
	v0 =	vmov v1  }
.Ltmp19:
0x11c: {  	v1 =	vnsel vm0, $0x0, v2;
	(pc) =	sbr.rel @!p3 .LBB2_33-.Ltmp19, $4  }
0x11d: {  	[tilespmem:s7+$0x7280] =	vst v1;
	s7 =	smov.u32 s1;
	s1 =	smov.u32 s5  }
0x11e: {  	v1 =	vadd.s32 $0xFFFF9E80, v4;
	v2 =	vld.idx.msk [tilespmem:v3+s14+$0x0], $0xffff  }
0x11f: {  	vm0 =	vgt.s32 v1, $0x0  }
0x120: {  	s5 =	sshra.s32 s29, $0x2;
	s29 =	sadd.s32 $0x40, s29;
	v3 =	vnsel vm0, $0x0, v1  }
0x121: {  	v4 =	vld [tilespmem:s5+$0x0]  }
0x122: {  	v3 =	vmin.u32 v3, $0x617F;
	_ =	sdelay $0x1  }
0x123: {  	vm0 =	vlt.u32 v0, $0x6180  }
0x124: {  	v0 =	vnsel vm0, $0x0, v2  }
0x125: {  	[tilespmem:s7+$0x7280] =	vst v0;
	v0 =	vadd.s32 $0xFFFF9E80, v4  }
0x126: {  	v2 =	vld.idx.msk [tilespmem:v3+s14+$0x0], $0xffff;
	vm11 =	vgt.s32 v0, $0x0  }
0x127: {  	v3 =	vnsel vm11, $0x0, v0  }
0x128: {  	v3 =	vmin.u32 v3, $0x617F;
	_ =	sdelay $0x1  }
0x129: {  	vm12 =	vlt.u32 v1, $0x6180  }
0x12a: {  	v1 =	vnsel vm12, $0x0, v2  }
0x12b: {  	[tilespmem:s1+$0x7280] =	vst v1  }
0x12c: {  	v1 =	vld.idx.msk [tilespmem:v3+s14+$0x0], $0xffff;
	_ =	sdelay $0x3  }
0x12d: {  	vm13 =	vlt.u32 v0, $0x6180  }
0x12e: {  	v0 =	vnsel vm13, $0x0, v1  }
0x12f: {  	[tilespmem:s5+$0x7280] =	vst v0  }
0x130: {  	[bflag:$0x0] =	sbarrier.arrive $0xFFFF  }
0x131: {  	[tilespmem:s14], [sflag:$0x5] =	stream.strided.gather [spmem:s20], $0x6200, s13, s2, $0x38;
	[tilespmem:$0x16640] =	vst v63  }
0x132: {  	_ =	swait.ge [sflag:s31], $0x6200  }
0x133: {  	[sflag:s31] =	ssyncset.done $0x0  }
0x134: {  	[sflag:s31] =	ssyncadd.s32 $0xFFFF9E00  }
0x135: {  	[tilespmem:s3], [sflag:$0x5] =	stream.linear.gather [spmem:s22], $0x80, $0x38;
	[tilespmem:$0x16640] =	vst v63  }
0x136: {  	_ =	swait.ge [sflag:s31], $0x80  }
0x137: {  	[sflag:s31] =	ssyncset.done $0x0  }
0x138: {  	s7 =	simm.s32 $0x0;
	[sflag:s31] =	ssyncadd.s32 $0xFFFFFF80  }
0x139: {  	v0 =	vld [tilespmem:s7+$0x0];
	_ =	sdelay $0x4  }
0x13a: {  	v1 =	vadd.s32 $0xFFFEDB80, v0  }
0x13b: {  	s1 =	simm.s32 $0x10;
	vm14 =	vgt.s32 v1, $0x0  }
0x13c: {  	v2 =	vnsel vm14, $0x0, v1;
	v1 =	vld [tilespmem:s1+$0x0]  }
0x13d: {  	v2 =	vmin.u32 v2, $0x627F;
	_ =	sdelay $0x3  }
0x13e: {  	v3 =	vld [tilespmem:s7+$0x7280];
	v4 =	vadd.s32 $0xFFFEDB80, v1  }
0x13f: {  	v2 =	vld.idx.msk [tilespmem:v2+s14+$0x0], $0xffff;
	vm15 =	vgt.s32 v4, $0x0  }
0x140: {  	s29 =	simm.s32 $0xC0;
	s5 =	simm.s32 $0x20;
	v4 =	vnsel vm15, $0x0, v4  }
.LBB2_35:
0x141: {  	p3 =	sne.s32 s29, $0x3FC0;
	v5 =	vld [tilespmem:s5+$0x0];
	v4 =	vmin.u32 v4, $0x627F;
	_ =	sdelay $0x1  }
0x142: {  	vm0 =	vgt.s32 v0, $0x1247F;
	v0 =	vmov v1  }
.Ltmp20:
0x143: {  	v3 =	vsel vm0, v2, v3;
	(pc) =	sbr.rel @p3 .LBB2_35-.Ltmp20, $4  }
0x144: {  	[tilespmem:s7+$0x7280] =	vst v3;
	s7 =	smov.u32 s1;
	s1 =	smov.u32 s5  }
0x145: {  	v6 =	vadd.s32 $0xFFFEDB80, v5;
	v2 =	vld.idx.msk [tilespmem:v4+s14+$0x0], $0xffff;
	v1 =	vmov v5  }
0x146: {  	vm0 =	vgt.s32 v6, $0x0;
	v3 =	vld [tilespmem:s7+$0x7280]  }
0x147: {  	s5 =	sshra.s32 s29, $0x2;
	s29 =	sadd.s32 $0x40, s29;
	v4 =	vnsel vm0, $0x0, v6  }
0x148: {  	v4 =	vmin.u32 v4, $0x627F  }
0x149: {  	v5 =	vld [tilespmem:s5+$0x0]  }
0x14a: {  	vm0 =	vgt.s32 v0, $0x1247F  }
0x14b: {  	v0 =	vsel vm0, v2, v3  }
0x14c: {  	[tilespmem:s7+$0x7280] =	vst v0  }
0x14d: {  	v62 =	vld.idx.msk [tilespmem:v4+s14+$0x0], $0xffff  }
0x14e: {  	v61 =	vadd.s32 $0xFFFEDB80, v5;
	v63 =	vld [tilespmem:s1+$0x7280]  }
0x14f: {  	vm13 =	vgt.s32 v61, $0x0  }
0x150: {  	v0 =	vnsel vm13, $0x0, v61  }
0x151: {  	v0 =	vmin.u32 v0, $0x627F  }
0x152: {  	vm14 =	vgt.s32 v1, $0x1247F  }
0x153: {  	v1 =	vsel vm14, v62, v63  }
0x154: {  	[tilespmem:s1+$0x7280] =	vst v1  }
0x155: {  	v1 =	vld [tilespmem:s5+$0x7280]  }
0x156: {  	v0 =	vld.idx.msk [tilespmem:v0+s14+$0x0], $0xffff;
	_ =	sdelay $0x1  }
.Ltmp21:
0x157: {  	_ = 	snop;
	(pc) =	sbr.rel .LBB2_37-.Ltmp21, $4  }
0x158: {  	_ = 	snop  }
0x159: {  	vm15 =	vgt.s32 v5, $0x1247F  }
0x15a: {  	v0 =	vsel vm15, v0, v1  }
0x15b: {  	[tilespmem:s5+$0x7280] =	vst v0  }
.LBB2_25:
0x15c: {  	s1 =	sshrl.u32 s8, $0x2  }
0x15d: {  	s5 =	sor.u32 $0x1, s7;
	s1 =	sadd.s32 s15, s1  }
0x15e: {  	s21 =	sand.u32 $0x7, s5;
	s1 =	sshll.u32 s1, $0x3  }
0x15f: {  	_ =	swait.ge [sflag:s28], $0xC300;
	s1 =	sor.u32 s21, s1  }
0x160: {  	[sflag:s28] =	ssyncset.done $0x0;
	s1 =	smul.u32 $0xC3800, s1  }
0x161: {  	[sflag:s28] =	ssyncadd.s32 $0xFFFF3D00  }
0x162: {  	[bflag:$0x0] =	sbarrier.arrive $0xFFFF;
	s1 =	sshrl.u32 s1, $0x3  }
0x163: {  	s30 =	rddreg [dreg:$0x5];
	s1 =	sadd.s32 s0, s1  }
0x164: {  	s29 =	simm.s32 $0x1C02;
	s21 =	sshrl.u32 s30, $0x3;
	s1 =	sadd.s32 $0xC300, s1  }
0x165: {  	[spmem:s21], [sflag:s29] =	dma.local [hbm:s1], $0xC380  }
0x166: {  	s21 =	sadd.s32 s16, s5  }
0x167: {  	s1 =	sshll.u32 s21, $0x10  }
0x168: {  	s1 =	sadd.s32 $0xFFFF0000, s1  }
0x169: {  	s29 =	rddreg [dreg:$0x7];
	s1 =	sshrl.u32 s1, $0x3  }
0x16a: {  	s30 =	simm.s32 $0x1C05;
	s5 =	sshrl.u32 s29, $0x3;
	s1 =	sadd.s32 s11, s1  }
0x16b: {  	[hbm:s1], [sflag:s30] =	dma.local [spmem:s5], $0x2000  }
0x16c: {  	_ =	swait.ge [sflag:s31], $0x2000  }
0x16d: {  	[sflag:s31] =	ssyncset.done $0x0  }
0x16e: {  	[sflag:s31] =	ssyncadd.s32 $0xFFFFE000  }
.LBB2_27:
0x16f: {  	[tilespmem:s14], [sflag:$0x5] =	stream.strided.gather [spmem:s18], $0x6180, s13, s2, $0x38;
	[tilespmem:$0x16640] =	vst v63  }
0x170: {  	_ =	swait.ge [sflag:s31], $0x6180  }
0x171: {  	[sflag:s31] =	ssyncset.done $0x0  }
0x172: {  	s30 =	simm.s32 $0x0;
	[sflag:s31] =	ssyncadd.s32 $0xFFFF9E80  }
0x173: {  	v0 =	vld [tilespmem:s30+$0x0];
	_ =	sdelay $0x4  }
0x174: {  	vm0 =	vgt.s32 v0, $0x0  }
0x175: {  	s1 =	simm.s32 $0x10;
	v2 =	vnsel vm0, $0x0, v0  }
0x176: {  	v1 =	vld [tilespmem:s1+$0x0];
	v2 =	vmin.u32 v2, $0x617F;
	_ =	sdelay $0x4  }
0x177: {  	vm15 =	vgt.s32 v1, $0x0;
	v2 =	vld.idx.msk [tilespmem:v2+s14+$0x0], $0xffff  }
0x178: {  	v3 =	vnsel vm15, $0x0, v1  }
0x179: {  	s5 =	simm.s32 $0x20;
	s29 =	simm.s32 $0xC0;
	v3 =	vmin.u32 v3, $0x617F  }
.LBB2_28:
0x17a: {  	p3 =	seq.s32 s29, $0x3FC0;
	v4 =	vld [tilespmem:s5+$0x0]  }
0x17b: {  	vm0 =	vlt.s32 v0, $0x6180;
	v0 =	vmov v1  }
0x17c: {  	v1 =	vnsel vm0, $0x0, v2  }
.Ltmp22:
0x17d: {  	[tilespmem:s30+$0x7280] =	vst v1;
	s30 =	smov.u32 s1;
	s1 =	smov.u32 s5;
	(pc) =	sbr.rel @!p3 .LBB2_28-.Ltmp22, $4  }
0x17e: {  	v2 =	vld.idx.msk [tilespmem:v3+s14+$0x0], $0xffff  }
0x17f: {  	vm0 =	vgt.s32 v4, $0x0;
	v1 =	vmov v4  }
0x180: {  	v3 =	vnsel vm0, $0x0, v1  }
0x181: {  	s5 =	sshra.s32 s29, $0x2;
	s29 =	sadd.s32 $0x40, s29;
	v3 =	vmin.u32 v3, $0x617F  }
0x182: {  	v4 =	vld [tilespmem:s5+$0x0];
	_ =	sdelay $0x1  }
0x183: {  	vm0 =	vlt.s32 v0, $0x6180  }
0x184: {  	v0 =	vnsel vm0, $0x0, v2  }
0x185: {  	[tilespmem:s30+$0x7280] =	vst v0  }
0x186: {  	v0 =	vld.idx.msk [tilespmem:v3+s14+$0x0], $0xffff;
	vm11 =	vgt.s32 v4, $0x0  }
0x187: {  	v2 =	vnsel vm11, $0x0, v4  }
0x188: {  	v2 =	vmin.u32 v2, $0x617F;
	_ =	sdelay $0x1  }
0x189: {  	vm12 =	vlt.s32 v1, $0x6180  }
0x18a: {  	v0 =	vnsel vm12, $0x0, v0  }
0x18b: {  	[tilespmem:s1+$0x7280] =	vst v0  }
0x18c: {  	v0 =	vld.idx.msk [tilespmem:v2+s14+$0x0], $0xffff;
	_ =	sdelay $0x3  }
0x18d: {  	vm13 =	vlt.s32 v4, $0x6180  }
0x18e: {  	p3 =	seq.s32 @p2 s8, $0x33;
	v0 =	vnsel vm13, $0x0, v0  }
0x18f: {  	p3 =	por p3, !p2;
	s1 =	simm.s32 @p2 $0x2;
	[tilespmem:s5+$0x7280] =	vst v0  }
0x190: {  	s5 =	sadd.s32 @!p3 $0x2, s7;
	_ =	swait.ge @p2 [sflag:s1], $0xC380  }
0x191: {  	s7 =	sshrl.u32 @!p3 s5, $0x3;
	[sflag:s1] =	ssyncset.done @p2 $0x0  }
0x192: {  	s5 =	sshll.u32 @!p3 s5, $0x3;
	[sflag:s1] =	ssyncadd.s32 @p2 $0xFFFF3C80;
	s1 =	sadd.s32 @!p3 s15, s7  }
0x193: {  	s5 =	sand.u32 @!p3 $0x30, s5;
	s1 =	sshll.u32 @!p3 s1, $0x6  }
0x194: {  	s7 =	simm.s32 @p2 $0x4;
	s1 =	sor.u32 @!p3 s5, s1  }
0x195: {  	_ =	swait.ge @p2 [sflag:s7], $0x80;
	s5 =	sshrl.u32 @!p3 s1, $0x3  }
0x196: {  	[sflag:s7] =	ssyncset.done @p2 $0x0;
	s5 =	smul.u32 @!p3 $0x18700, s5  }
0x197: {  	s29 =	sshrl.u32 @!p3 s4, $0x3;
	[sflag:s7] =	ssyncadd.s32 @p2 $0xFFFFFF80;
	s7 =	sshll.u32 @!p3 s12, $0x6  }
0x198: {  	[bflag:$0x0] =	sbarrier.arrive @p2 $0xFFFF;
	s21 =	sor.u32 @!p3 $0x1C01, s7;
	s5 =	sadd.s32 @!p3 s0, s5  }
0x199: {  	[spmem:s29], [sflag:s21] =	dma.local @!p3 [hbm:s5], $0xC300  }
0x19a: {  	s1 =	sshll.u32 @!p3 s1, $0x4;
	s5 =	sor.u32 @!p3 $0x1C03, s7;
	s7 =	rddreg [dreg:$0x2]  }
0x19b: {  	s1 =	sadd.s32 @!p3 s9, s1;
	s7 =	sshrl.u32 @!p3 s7, $0x3  }
0x19c: {  	[spmem:s7], [sflag:s5] =	dma.local @!p3 [hbm:s1], $0x80  }
0x19d: {  	[bflag:$0x0] =	sbarrier.arrive @!p2 $0xFFFF  }
0x19e: {  	[tilespmem:s14], [sflag:$0x5] =	stream.strided.gather [spmem:s19], $0x6180, s13, s2, $0x38;
	[tilespmem:$0x16640] =	vst v63  }
0x19f: {  	_ =	swait.ge [sflag:s31], $0x6180  }
0x1a0: {  	[sflag:s31] =	ssyncset.done $0x0  }
0x1a1: {  	s7 =	simm.s32 $0x0;
	[sflag:s31] =	ssyncadd.s32 $0xFFFF9E80  }
0x1a2: {  	v0 =	vld [tilespmem:s7+$0x0];
	_ =	sdelay $0x4  }
0x1a3: {  	v0 =	vadd.s32 $0xFFFF3D00, v0  }
0x1a4: {  	vm14 =	vgt.s32 v0, $0x0  }
0x1a5: {  	s1 =	simm.s32 $0x10;
	v1 =	vnsel vm14, $0x0, v0  }
0x1a6: {  	v2 =	vld [tilespmem:s1+$0x0];
	v3 =	vmin.u32 v1, $0x617F;
	_ =	sdelay $0x4  }
0x1a7: {  	v1 =	vadd.s32 $0xFFFF3D00, v2;
	v2 =	vld.idx.msk [tilespmem:v3+s14+$0x0], $0xffff  }
0x1a8: {  	vm15 =	vgt.s32 v1, $0x0;
	v3 =	vld [tilespmem:s7+$0x7280]  }
0x1a9: {  	s29 =	simm.s32 $0xC0;
	s5 =	simm.s32 $0x20;
	v4 =	vnsel vm15, $0x0, v1  }
.LBB2_30:
0x1aa: {  	p3 =	seq.s32 s29, $0x3FC0;
	v5 =	vld [tilespmem:s5+$0x0];
	v4 =	vmin.u32 v4, $0x617F;
	_ =	sdelay $0x1  }
0x1ab: {  	vm0 =	vlt.u32 v0, $0x6180;
	v0 =	vmov v1  }
.Ltmp23:
0x1ac: {  	v1 =	vsel vm0, v2, v3;
	(pc) =	sbr.rel @!p3 .LBB2_30-.Ltmp23, $4  }
0x1ad: {  	[tilespmem:s7+$0x7280] =	vst v1;
	s7 =	smov.u32 s1;
	s1 =	smov.u32 s5  }
0x1ae: {  	v1 =	vadd.s32 $0xFFFF3D00, v5;
	v2 =	vld.idx.msk [tilespmem:v4+s14+$0x0], $0xffff  }
0x1af: {  	vm0 =	vgt.s32 v1, $0x0;
	v3 =	vld [tilespmem:s7+$0x7280]  }
0x1b0: {  	s5 =	sshra.s32 s29, $0x2;
	s29 =	sadd.s32 $0x40, s29;
	v4 =	vnsel vm0, $0x0, v1  }
0x1b1: {  	v4 =	vmin.u32 v4, $0x617F  }
0x1b2: {  	v5 =	vld [tilespmem:s5+$0x0]  }
0x1b3: {  	vm0 =	vlt.u32 v0, $0x6180  }
0x1b4: {  	v0 =	vsel vm0, v2, v3  }
0x1b5: {  	[tilespmem:s7+$0x7280] =	vst v0  }
0x1b6: {  	v60 =	vld.idx.msk [tilespmem:v4+s14+$0x0], $0xffff  }
0x1b7: {  	v59 =	vadd.s32 $0xFFFF3D00, v5;
	v61 =	vld [tilespmem:s1+$0x7280]  }
0x1b8: {  	vm13 =	vgt.s32 v59, $0x0  }
0x1b9: {  	v62 =	vnsel vm13, $0x0, v59  }
0x1ba: {  	v4 =	vmin.u32 v62, $0x617F  }
0x1bb: {  	vm14 =	vlt.u32 v1, $0x6180  }
0x1bc: {  	v1 =	vsel vm14, v60, v61  }
0x1bd: {  	[tilespmem:s1+$0x7280] =	vst v1  }
0x1be: {  	v63 =	vld [tilespmem:s5+$0x7280]  }
0x1bf: {  	v1 =	vld.idx.msk [tilespmem:v4+s14+$0x0], $0xffff;
	_ =	sdelay $0x1  }
.Ltmp24:
0x1c0: {  	_ = 	snop;
	(pc) =	sbr.rel .LBB2_37-.Ltmp24, $4  }
0x1c1: {  	_ = 	snop  }
0x1c2: {  	vm15 =	vlt.u32 v59, $0x6180  }
0x1c3: {  	v0 =	vsel vm15, v1, v63  }
0x1c4: {  	[tilespmem:s5+$0x7280] =	vst v0  }
.LBB2_39:
0x1c5: {  	_ =	sfence.sel $0x180000  }
0x1c6: {  	[bflag:$0x0] =	sbarrier.arrive $0xFFFF  }
0x1c7: {  	_ =	strace $0x90000047  }
0x1c8: {  	[bflag:$0x2] =	sbarrier.arrive $0xFFFF  }
0x1c9: {  	s0 =	rddreg [dreg:$0x8]  }
0x1ca: {  	s0 =	sadd.s32 @!p1 $0x100000, s0  }
0x1cb: {  	[sflag:s0] =	ssyncadd.tile.s32 @!p1 $0x1;
	_ =	shalt  }
.Lfunc_end2:
_tile_overlayer_lowered:
.L_overlay_start_2:
0x1cc: {  	(tag) =	ssettag $0x2  }
0x1cd: {  	s0 =	rddreg [dreg:$0x0];
	s2 =	stileid.u32  }
0x1ce: {  	s1 =	rddreg [dreg:$0x1];
	p0 =	sne.s32 s2, $0x0  }
0x1cf: {  	s3 =	rddreg [dreg:$0x2];
	[bflag:$0x3] =	sbarrier.arrive $0xFFFF;
	s2 =	simm.s32 @!p0 $0x1C05  }
0x1d0: {  	[timem:s3], [sflag:s2] =	dma.local @!p0 [hbm:s0], s1  }
0x1d1: {  	s0 =	simm.s32 @!p0 $0x5  }
0x1d2: {  	_ =	swait.ge @!p0 [sflag:s0], s1  }
0x1d3: {  	s1 =	ssub.s32 @!p0 $0x0, s1;
	[sflag:s0] =	ssyncset.done @!p0 $0x0  }
0x1d4: {  	[sflag:s0] =	ssyncadd.s32 @!p0 s1  }
0x1d5: {  	[bflag:$0x3] =	sbarrier.arrive $0xFFFF  }
0x1d6: {  	_ =	shalt  }

</sc_bundles>
